<compile_context>
chip_gen: v7x
topology: tpu7x:2x2x1
jax: 0.10.2.dev20260603
libtpu: 0.0.44.dev20260713+nightly
codegen_flags: <defaults>
</compile_context>

<pallas_src>
import functools

import jax
import jax.numpy as jnp
from jax import lax
from jax.experimental import pallas as pl
from jax.experimental.pallas import tpu as pltpu
from jax.experimental.pallas import tpu_sc as plsc

N_NODES = 10000
N_EDGES = 320000
D = 128
D_EDGE = 16
DH = D // 2
NC = 2
NS = 16
EP = N_EDGES // NS
CHUNK = 80
NCHUNK = EP // CHUNK
ROWS_A = 624
ZROWS = 208



def _edge_lin_body3(attr_ref, w_ref, b_ref, out_ref):
    out_ref[0, ...] = (
        jnp.dot(attr_ref[...], w_ref[0, ...], preferred_element_type=jnp.float32)
        + b_ref[0, ...]
    )


def _edge_linear_split(edge_attr, W_edge, b_edge):
    BLK = 8000
    nblk = N_EDGES // BLK
    W_split = jnp.stack([W_edge[:, :DH], W_edge[:, DH:]])
    b_split = jnp.stack([b_edge[:DH], b_edge[DH:]])[:, None, :]
    out = pl.pallas_call(
        _edge_lin_body3,
        grid=(NC, nblk),
        in_specs=[
            pl.BlockSpec((BLK, D_EDGE), lambda c, i: (i, 0)),
            pl.BlockSpec((1, D_EDGE, DH), lambda c, i: (c, 0, 0)),
            pl.BlockSpec((1, 1, DH), lambda c, i: (c, 0, 0)),
        ],
        out_specs=pl.BlockSpec((1, BLK, DH), lambda c, i: (c, i, 0)),
        out_shape=jax.ShapeDtypeStruct((NC, N_EDGES, DH), jnp.float32),
    )(edge_attr, W_split, b_split)
    return out.reshape(NC * N_EDGES, DH)



def _sc_body(x_hbm, e_cat, src_hbm, dst_hbm, t16, zeros_hbm,
             acc_hbm,
             acc_sh, srcb, dstb, xb, eb, pqb, tv, sem):
    cid = lax.axis_index("c")
    sid = lax.axis_index("s")
    base_r = sid * ROWS_A

    for k in range(3):
        pltpu.sync_copy(zeros_hbm, acc_sh.at[pl.ds(base_r + k * ZROWS, ZROWS)])

    @pl.when(sid == NS - 1)
    def _():
        pltpu.sync_copy(zeros_hbm.at[pl.ds(0, 16)],
                        acc_sh.at[pl.ds(NS * ROWS_A, 16)])

    pltpu.sync_copy(t16, tv)
    plsc.subcore_barrier()

    tvv = tv[...]
    fbase = cid * DH

    def chunk_body(k, carry):
        be = sid * EP + k * CHUNK
        ge = cid * N_EDGES + be
        pltpu.sync_copy(src_hbm.at[pl.ds(be, CHUNK)], srcb)
        pltpu.sync_copy(dst_hbm.at[pl.ds(be, CHUNK)], dstb)
        pltpu.async_copy(x_hbm.at[srcb], xb, sem).wait()
        pltpu.sync_copy(e_cat.at[pl.ds(ge, CHUNK)], eb)

        def edge_body(j, c2):
            for f in range(DH // 16):
                m = jnp.maximum(xb[j, pl.ds(fbase + f * 16, 16)]
                                + eb[j, pl.ds(f * 16, 16)], 0.0) + 1e-7
                p = jnp.exp(m * tvv)
                pqb[j, pl.ds(f * 16, 16)] = p
                pqb[j, pl.ds(DH + f * 16, 16)] = p * m
            return c2

        lax.fori_loop(0, CHUNK, edge_body, 0)
        pltpu.sync_copy(pqb, acc_sh.at[dstb], add=True)
        return carry

    lax.fori_loop(0, NCHUNK, chunk_body, 0)
    plsc.subcore_barrier()

    pltpu.sync_copy(acc_sh.at[pl.ds(base_r, ROWS_A)],
                    acc_hbm.at[pl.ds(cid * N_NODES + base_r, ROWS_A)])

    @pl.when(sid == NS - 1)
    def _():
        pltpu.sync_copy(acc_sh.at[pl.ds(NS * ROWS_A, 16)],
                        acc_hbm.at[pl.ds(cid * N_NODES + NS * ROWS_A, 16)])


def _sc_aggregate(x, e_cat, src, dst, t16, zeros):
    mesh = plsc.VectorSubcoreMesh(core_axis_name="c", subcore_axis_name="s")
    f = pl.kernel(
        _sc_body,
        out_type=jax.ShapeDtypeStruct((NC * N_NODES, D), jnp.float32),
        mesh=mesh,
        scratch_types=[
            pltpu.VMEM_SHARED((N_NODES, D), jnp.float32),
            pltpu.VMEM((CHUNK,), jnp.int32),
            pltpu.VMEM((CHUNK,), jnp.int32),
            pltpu.VMEM((CHUNK, D), jnp.float32),
            pltpu.VMEM((CHUNK, DH), jnp.float32),
            pltpu.VMEM((CHUNK, D), jnp.float32),
            pltpu.VMEM((16,), jnp.float32),
            pltpu.SemaphoreType.DMA,
        ],
    )
    return f(x, e_cat, src, dst, t16, zeros)



def _tail_body(x_ref, acc_ref, w1_ref, b1_ref, w2_ref, b2_ref,
               g1_ref, be1_ref, lw_ref, g2_ref, be2_ref, out_ref):
    x = x_ref[...]
    lo = acc_ref[0:N_NODES, :]
    hi = acc_ref[N_NODES:2 * N_NODES, :]
    den = jnp.concatenate([lo[:, :DH], hi[:, :DH]], axis=1)
    num = jnp.concatenate([lo[:, DH:], hi[:, DH:]], axis=1)
    aggr = num / (den + 1e-16)
    h = x + aggr
    h = jax.nn.relu(jnp.dot(h, w1_ref[...], preferred_element_type=jnp.float32)
                    + b1_ref[...])
    h = jnp.dot(h, w2_ref[...], preferred_element_type=jnp.float32) + b2_ref[...]
    mu = jnp.mean(h, axis=0, keepdims=True)
    var = jnp.mean((h - mu) ** 2, axis=0, keepdims=True)
    h = (h - mu) / jnp.sqrt(var + 1e-5) * g1_ref[...] + be1_ref[...]
    h = h * jax.nn.sigmoid(h)
    h = jnp.dot(h, lw_ref[...], preferred_element_type=jnp.float32)
    mu2 = jnp.mean(h, axis=0, keepdims=True)
    var2 = jnp.mean((h - mu2) ** 2, axis=0, keepdims=True)
    h = (h - mu2) / jnp.sqrt(var2 + 1e-5) * g2_ref[...] + be2_ref[...]
    out_ref[...] = h * jax.nn.sigmoid(h)


def _dense_tail(x, acc, mlp_W1, mlp_b1, mlp_W2, mlp_b2,
                bn1_gamma, bn1_beta, lin_W, bn2_gamma, bn2_beta):
    return pl.pallas_call(
        _tail_body,
        out_shape=jax.ShapeDtypeStruct((N_NODES, D), jnp.float32),
    )(x, acc,
      mlp_W1, mlp_b1.reshape(1, 2 * D), mlp_W2, mlp_b2.reshape(1, D),
      bn1_gamma.reshape(1, D), bn1_beta.reshape(1, D), lin_W,
      bn2_gamma.reshape(1, D), bn2_beta.reshape(1, D))



def kernel(x, edge_index, edge_attr, W_edge, b_edge, t,
           mlp_W1, mlp_b1, mlp_W2, mlp_b2,
           bn1_gamma, bn1_beta, lin_W, bn2_gamma, bn2_beta):
    src = edge_index[0].astype(jnp.int32)
    dst = edge_index[1].astype(jnp.int32)

    t16 = jnp.full((16,), t, dtype=jnp.float32)
    zeros = jnp.zeros((ZROWS, D), dtype=jnp.float32)

    e_cat = _edge_linear_split(edge_attr, W_edge, b_edge)
    acc = _sc_aggregate(x, e_cat, src, dst, t16, zeros)

    return _dense_tail(x, acc, mlp_W1, mlp_b1, mlp_W2, mlp_b2,
                       bn1_gamma, bn1_beta, lin_W, bn2_gamma, bn2_beta)

# --- scband reference (transcript-rebuilt; emitter-appended) ---
"""Pipeline reference for scband-conv-block-32375463478029 (READ-ONLY COPY).

The authoritative reference and input builder live on the scoring server;
editing this copy changes nothing except your own understanding.
"""

import jax, jax.numpy as jnp
import numpy as np

N_NODES = 10000
N_EDGES = 320000
D = 128
D_EDGE = 16

def setup_inputs(seed: int = 0) -> dict:
    key = jax.random.key(seed)
    ks = jax.random.split(key, 16)
    x = jax.random.normal(ks[0], (N_NODES, D), dtype=jnp.float32)
    edge_index = jax.random.randint(ks[1], (2, N_EDGES), 0, N_NODES, dtype=jnp.int64)
    edge_attr = jax.random.normal(ks[2], (N_EDGES, D_EDGE), dtype=jnp.float32)
    s = 1.0 / np.sqrt(D)
    W_edge = jax.random.normal(ks[3], (D_EDGE, D), dtype=jnp.float32) * (1.0 / np.sqrt(D_EDGE))
    b_edge = jnp.zeros((D,), dtype=jnp.float32)
    t = jnp.array(1.0, dtype=jnp.float32)  # learnable softmax temperature (GENConv)
    mlp_W1 = jax.random.normal(ks[4], (D, 2 * D), dtype=jnp.float32) * s
    mlp_b1 = jnp.zeros((2 * D,), dtype=jnp.float32)
    mlp_W2 = jax.random.normal(ks[5], (2 * D, D), dtype=jnp.float32) * (1.0 / np.sqrt(2 * D))
    mlp_b2 = jnp.zeros((D,), dtype=jnp.float32)
    bn1_gamma = jnp.ones((D,), dtype=jnp.float32)
    bn1_beta = jnp.zeros((D,), dtype=jnp.float32)
    lin_W = jax.random.normal(ks[6], (D, D), dtype=jnp.float32) * s
    bn2_gamma = jnp.ones((D,), dtype=jnp.float32)
    bn2_beta = jnp.zeros((D,), dtype=jnp.float32)
    return {"x": x, "edge_index": edge_index, "edge_attr": edge_attr,
            "W_edge": W_edge, "b_edge": b_edge, "t": t,
            "mlp_W1": mlp_W1, "mlp_b1": mlp_b1, "mlp_W2": mlp_W2, "mlp_b2": mlp_b2,
            "bn1_gamma": bn1_gamma, "bn1_beta": bn1_beta,
            "lin_W": lin_W, "bn2_gamma": bn2_gamma, "bn2_beta": bn2_beta}

def _batchnorm(h, gamma, beta, eps=1e-5):
    mu = jnp.mean(h, axis=0)
    var = jnp.var(h, axis=0)
    return (h - mu) / jnp.sqrt(var + eps) * gamma + beta

def reference(x, edge_index, edge_attr, W_edge, b_edge, t,
              mlp_W1, mlp_b1, mlp_W2, mlp_b2,
              bn1_gamma, bn1_beta, lin_W, bn2_gamma, bn2_beta):
    N = x.shape[0]
    src = edge_index[0]
    dst = edge_index[1]
    # GENConv message: relu(x_j + lin_edge(edge_attr)) + eps
    e = edge_attr @ W_edge + b_edge
    m = jax.nn.relu(x[src] + e) + 1e-7
    # softmax aggregation over incoming edges per dst node, temperature t
    alpha = m * t
    seg_max = jax.ops.segment_max(alpha, dst, num_segments=N)
    seg_max = jnp.where(jnp.isfinite(seg_max), seg_max, 0.0)
    ex = jnp.exp(alpha - seg_max[dst])
    denom = jax.ops.segment_sum(ex, dst, num_segments=N) + 1e-16
    w = ex / denom[dst]
    aggr = jax.ops.segment_sum(w * m, dst, num_segments=N)
    # GENConv update: MLP(x + aggr)  (2-layer MLP, expansion=2)
    h = x + aggr
    h = jax.nn.relu(h @ mlp_W1 + mlp_b1) @ mlp_W2 + mlp_b2
    # BatchNorm -> SiLU -> Linear(no bias) -> BatchNorm -> SiLU
    h = _batchnorm(h, bn1_gamma, bn1_beta)
    h = jax.nn.silu(h)
    h = h @ lin_W
    h = _batchnorm(h, bn2_gamma, bn2_beta)
    return jax.nn.silu(h)

if __name__ == "__main__":
    import jax
    _d = setup_inputs()
    print(jax.jit(kernel)(*tuple(_d.values())))

</pallas_src>

<mosaic_0001>
#map = affine_map<(d0, d1) -> (0, 0)>
#map1 = affine_map<(d0, d1) -> (0)>
module attributes {stable_mosaic.version = 14 : i64} {
  func.func @_sc_body(%arg0: i32, %arg1: i32, %arg2: memref<10000x128xf32, #tpu.memory_space<hbm>>, %arg3: memref<640000x64xf32, #tpu.memory_space<hbm>>, %arg4: memref<320000xi32, #tpu.memory_space<hbm>>, %arg5: memref<320000xi32, #tpu.memory_space<hbm>>, %arg6: memref<16xf32, #tpu.memory_space<hbm>>, %arg7: memref<208x128xf32, #tpu.memory_space<hbm>>, %arg8: memref<20000x128xf32, #tpu.memory_space<hbm>>, %arg9: memref<10000x128xf32, #tpu.memory_space<vmem_shared>>, %arg10: memref<80xi32, #tpu.memory_space<vmem>>, %arg11: memref<80xi32, #tpu.memory_space<vmem>>, %arg12: memref<80x128xf32, #tpu.memory_space<vmem>>, %arg13: memref<80x64xf32, #tpu.memory_space<vmem>>, %arg14: memref<80x128xf32, #tpu.memory_space<vmem>>, %arg15: memref<16xf32, #tpu.memory_space<vmem>>, %arg16: memref<!tpu.dma_semaphore, #tpu.memory_space<semaphore_mem>>) attributes {dimension_semantics = [#tpu.dimension_semantics<core_parallel>, #tpu.dimension_semantics<subcore_parallel>], iteration_bounds = array<i64: 2, 16>, scalar_prefetch = 0 : i64, scratch_operands = 8 : i64, tpu.core_type = #tpu.core_type<sc_vector_subcore>, window_params = [{transform_indices = #map}, {transform_indices = #map}, {transform_indices = #map1}, {transform_indices = #map1}, {transform_indices = #map1}, {transform_indices = #map}, {transform_indices = #map}]} {
    %mul3A = arith.constant 624 : i32
    %mul3A_0 = arith.muli %arg1, %mul3A : i32
    %add3A = arith.constant 0 : i32
    %add3A_1 = arith.addi %mul3A_0, %add3A : i32
    "tpu.region"() ({
      %run_scoped3A = tpu.sem_alloc : memref<!tpu.dma_semaphore, #tpu.memory_space<semaphore_mem>>
      %dma_start3A = arith.constant 0 : i32
      %dma_start3A_26 = tpu.memref_slice %arg9[%add3A_1, %dma_start3A] : memref<10000x128xf32, #tpu.memory_space<vmem_shared>> -> memref<208x128xf32, #tpu.memory_space<vmem_shared>>
      tpu.enqueue_dma source(%arg7 : memref<208x128xf32, #tpu.memory_space<hbm>>) target(%dma_start3A_26 : memref<208x128xf32, #tpu.memory_space<vmem_shared>>) target_semaphore(%run_scoped3A : memref<!tpu.dma_semaphore, #tpu.memory_space<semaphore_mem>>)
      %dma_wait3A = arith.constant 0 : i32
      %dma_wait3A_27 = tpu.memref_slice %arg9[%add3A_1, %dma_wait3A] : memref<10000x128xf32, #tpu.memory_space<vmem_shared>> -> memref<208x128xf32, #tpu.memory_space<vmem_shared>>
      tpu.wait_dma2 semaphore(%run_scoped3A : memref<!tpu.dma_semaphore, #tpu.memory_space<semaphore_mem>>) src(%arg7 : memref<208x128xf32, #tpu.memory_space<hbm>>) dst(%dma_wait3A_27 : memref<208x128xf32, #tpu.memory_space<vmem_shared>>)
      tpu.yield
    }) : () -> ()
    %add3A_2 = arith.constant 208 : i32
    %add3A_3 = arith.addi %mul3A_0, %add3A_2 : i32
    "tpu.region"() ({
      %run_scoped3A = tpu.sem_alloc : memref<!tpu.dma_semaphore, #tpu.memory_space<semaphore_mem>>
      %dma_start3A = arith.constant 0 : i32
      %dma_start3A_26 = tpu.memref_slice %arg9[%add3A_3, %dma_start3A] : memref<10000x128xf32, #tpu.memory_space<vmem_shared>> -> memref<208x128xf32, #tpu.memory_space<vmem_shared>>
      tpu.enqueue_dma source(%arg7 : memref<208x128xf32, #tpu.memory_space<hbm>>) target(%dma_start3A_26 : memref<208x128xf32, #tpu.memory_space<vmem_shared>>) target_semaphore(%run_scoped3A : memref<!tpu.dma_semaphore, #tpu.memory_space<semaphore_mem>>)
      %dma_wait3A = arith.constant 0 : i32
      %dma_wait3A_27 = tpu.memref_slice %arg9[%add3A_3, %dma_wait3A] : memref<10000x128xf32, #tpu.memory_space<vmem_shared>> -> memref<208x128xf32, #tpu.memory_space<vmem_shared>>
      tpu.wait_dma2 semaphore(%run_scoped3A : memref<!tpu.dma_semaphore, #tpu.memory_space<semaphore_mem>>) src(%arg7 : memref<208x128xf32, #tpu.memory_space<hbm>>) dst(%dma_wait3A_27 : memref<208x128xf32, #tpu.memory_space<vmem_shared>>)
      tpu.yield
    }) : () -> ()
    %add3A_4 = arith.constant 416 : i32
    %add3A_5 = arith.addi %mul3A_0, %add3A_4 : i32
    "tpu.region"() ({
      %run_scoped3A = tpu.sem_alloc : memref<!tpu.dma_semaphore, #tpu.memory_space<semaphore_mem>>
      %dma_start3A = arith.constant 0 : i32
      %dma_start3A_26 = tpu.memref_slice %arg9[%add3A_5, %dma_start3A] : memref<10000x128xf32, #tpu.memory_space<vmem_shared>> -> memref<208x128xf32, #tpu.memory_space<vmem_shared>>
      tpu.enqueue_dma source(%arg7 : memref<208x128xf32, #tpu.memory_space<hbm>>) target(%dma_start3A_26 : memref<208x128xf32, #tpu.memory_space<vmem_shared>>) target_semaphore(%run_scoped3A : memref<!tpu.dma_semaphore, #tpu.memory_space<semaphore_mem>>)
      %dma_wait3A = arith.constant 0 : i32
      %dma_wait3A_27 = tpu.memref_slice %arg9[%add3A_5, %dma_wait3A] : memref<10000x128xf32, #tpu.memory_space<vmem_shared>> -> memref<208x128xf32, #tpu.memory_space<vmem_shared>>
      tpu.wait_dma2 semaphore(%run_scoped3A : memref<!tpu.dma_semaphore, #tpu.memory_space<semaphore_mem>>) src(%arg7 : memref<208x128xf32, #tpu.memory_space<hbm>>) dst(%dma_wait3A_27 : memref<208x128xf32, #tpu.memory_space<vmem_shared>>)
      tpu.yield
    }) : () -> ()
    %eq3A = arith.constant 15 : i32
    %eq3A_6 = arith.cmpi eq, %arg1, %eq3A : i32
    %convert_element_type3A = arith.extui %eq3A_6 : i1 to i32
    %cond3A = arith.constant 0 : i32
    %cond3A_7 = arith.cmpi ne, %convert_element_type3A, %cond3A : i32
    scf.if %cond3A_7 {
      "tpu.region"() ({
        %run_scoped3A = tpu.sem_alloc : memref<!tpu.dma_semaphore, #tpu.memory_space<semaphore_mem>>
        %dma_start3A = arith.constant 9984 : i32
        %dma_start3A_26 = arith.constant 0 : i32
        %dma_start3A_27 = tpu.memref_slice %arg9[%dma_start3A, %dma_start3A_26] : memref<10000x128xf32, #tpu.memory_space<vmem_shared>> -> memref<16x128xf32, #tpu.memory_space<vmem_shared>>
        %dma_start3A_28 = arith.constant 0 : i32
        %dma_start3A_29 = arith.constant 0 : i32
        %dma_start3A_30 = tpu.memref_slice %arg7[%dma_start3A_28, %dma_start3A_29] : memref<208x128xf32, #tpu.memory_space<hbm>> -> memref<16x128xf32, #tpu.memory_space<hbm>>
        tpu.enqueue_dma source(%dma_start3A_30 : memref<16x128xf32, #tpu.memory_space<hbm>>) target(%dma_start3A_27 : memref<16x128xf32, #tpu.memory_space<vmem_shared>>) target_semaphore(%run_scoped3A : memref<!tpu.dma_semaphore, #tpu.memory_space<semaphore_mem>>)
        %dma_wait3A = arith.constant 9984 : i32
        %dma_wait3A_31 = arith.constant 0 : i32
        %dma_wait3A_32 = tpu.memref_slice %arg9[%dma_wait3A, %dma_wait3A_31] : memref<10000x128xf32, #tpu.memory_space<vmem_shared>> -> memref<16x128xf32, #tpu.memory_space<vmem_shared>>
        %dma_wait3A_33 = arith.constant 0 : i32
        %dma_wait3A_34 = arith.constant 0 : i32
        %dma_wait3A_35 = tpu.memref_slice %arg7[%dma_wait3A_33, %dma_wait3A_34] : memref<208x128xf32, #tpu.memory_space<hbm>> -> memref<16x128xf32, #tpu.memory_space<hbm>>
        tpu.wait_dma2 semaphore(%run_scoped3A : memref<!tpu.dma_semaphore, #tpu.memory_space<semaphore_mem>>) src(%dma_wait3A_35 : memref<16x128xf32, #tpu.memory_space<hbm>>) dst(%dma_wait3A_32 : memref<16x128xf32, #tpu.memory_space<vmem_shared>>)
        tpu.yield
      }) : () -> ()
    } else {
    }
    "tpu.region"() ({
      %run_scoped3A = tpu.sem_alloc : memref<!tpu.dma_semaphore, #tpu.memory_space<semaphore_mem>>
      tpu.enqueue_dma source(%arg6 : memref<16xf32, #tpu.memory_space<hbm>>) target(%arg15 : memref<16xf32, #tpu.memory_space<vmem>>) target_semaphore(%run_scoped3A : memref<!tpu.dma_semaphore, #tpu.memory_space<semaphore_mem>>)
      tpu.wait_dma2 semaphore(%run_scoped3A : memref<!tpu.dma_semaphore, #tpu.memory_space<semaphore_mem>>) src(%arg6 : memref<16xf32, #tpu.memory_space<hbm>>) dst(%arg15 : memref<16xf32, #tpu.memory_space<vmem>>)
      tpu.yield
    }) : () -> ()
    %barrier3A = arith.constant 0 : index
    tpu.barrier barrier_id(%barrier3A)
    %get3A = arith.constant 0 : index
    %get3A_8 = tpu.vector_load %arg15[%get3A] {strides = array<i32>} : memref<16xf32, #tpu.memory_space<vmem>>, vector<16xf32>,
    %get3A_9 = vector.shape_cast %get3A_8 : vector<16xf32> to vector<16xf32>
    %mul3A_10 = arith.constant 64 : i32
    %mul3A_11 = arith.muli %arg0, %mul3A_10 : i32
    %scan3A = arith.constant 0 : i32
    %scan3A_12 = arith.constant 0 : i32
    %scan3A_13 = arith.constant 250 : i32
    %scan3A_14 = arith.addi %scan3A_12, %scan3A_13 : i32
    %scan3A_15 = arith.constant 1 : i32
    scf.for %scan3A_26 = %scan3A_12 to %scan3A_14 step %scan3A_15  : i32 {
      %mul3A_27 = arith.constant 20000 : i32
      %mul3A_28 = arith.muli %arg1, %mul3A_27 : i32
      %mul3A_29 = arith.constant 80 : i32
      %mul3A_30 = arith.muli %scan3A_26, %mul3A_29 : i32
      %add3A_31 = arith.addi %mul3A_28, %mul3A_30 : i32
      %mul3A_32 = arith.constant 320000 : i32
      %mul3A_33 = arith.muli %arg0, %mul3A_32 : i32
      %add3A_34 = arith.addi %mul3A_33, %add3A_31 : i32
      "tpu.region"() ({
        %run_scoped3A = tpu.sem_alloc : memref<!tpu.dma_semaphore, #tpu.memory_space<semaphore_mem>>
        %dma_start3A_45 = tpu.memref_slice %arg4[%add3A_31] : memref<320000xi32, #tpu.memory_space<hbm>> -> memref<80xi32, #tpu.memory_space<hbm>>
        %dma_start3A_46 = tpu.memref_slice %arg4[%add3A_31] : memref<320000xi32, #tpu.memory_space<hbm>> -> memref<80xi32, #tpu.memory_space<hbm>>
        tpu.enqueue_dma source(%dma_start3A_46 : memref<80xi32, #tpu.memory_space<hbm>>) target(%arg10 : memref<80xi32, #tpu.memory_space<vmem>>) target_semaphore(%run_scoped3A : memref<!tpu.dma_semaphore, #tpu.memory_space<semaphore_mem>>)
        %dma_wait3A_47 = tpu.memref_slice %arg4[%add3A_31] : memref<320000xi32, #tpu.memory_space<hbm>> -> memref<80xi32, #tpu.memory_space<hbm>>
        %dma_wait3A_48 = tpu.memref_slice %arg4[%add3A_31] : memref<320000xi32, #tpu.memory_space<hbm>> -> memref<80xi32, #tpu.memory_space<hbm>>
        tpu.wait_dma2 semaphore(%run_scoped3A : memref<!tpu.dma_semaphore, #tpu.memory_space<semaphore_mem>>) src(%dma_wait3A_48 : memref<80xi32, #tpu.memory_space<hbm>>) dst(%arg10 : memref<80xi32, #tpu.memory_space<vmem>>)
        tpu.yield
      }) : () -> ()
      "tpu.region"() ({
        %run_scoped3A = tpu.sem_alloc : memref<!tpu.dma_semaphore, #tpu.memory_space<semaphore_mem>>
        %dma_start3A_45 = tpu.memref_slice %arg5[%add3A_31] : memref<320000xi32, #tpu.memory_space<hbm>> -> memref<80xi32, #tpu.memory_space<hbm>>
        %dma_start3A_46 = tpu.memref_slice %arg5[%add3A_31] : memref<320000xi32, #tpu.memory_space<hbm>> -> memref<80xi32, #tpu.memory_space<hbm>>
        tpu.enqueue_dma source(%dma_start3A_46 : memref<80xi32, #tpu.memory_space<hbm>>) target(%arg11 : memref<80xi32, #tpu.memory_space<vmem>>) target_semaphore(%run_scoped3A : memref<!tpu.dma_semaphore, #tpu.memory_space<semaphore_mem>>)
        %dma_wait3A_47 = tpu.memref_slice %arg5[%add3A_31] : memref<320000xi32, #tpu.memory_space<hbm>> -> memref<80xi32, #tpu.memory_space<hbm>>
        %dma_wait3A_48 = tpu.memref_slice %arg5[%add3A_31] : memref<320000xi32, #tpu.memory_space<hbm>> -> memref<80xi32, #tpu.memory_space<hbm>>
        tpu.wait_dma2 semaphore(%run_scoped3A : memref<!tpu.dma_semaphore, #tpu.memory_space<semaphore_mem>>) src(%dma_wait3A_48 : memref<80xi32, #tpu.memory_space<hbm>>) dst(%arg11 : memref<80xi32, #tpu.memory_space<vmem>>)
        tpu.yield
      }) : () -> ()
      %dma_start3A = arith.constant 0 : i32
      %dma_start3A_35 = arith.constant 0 : i32
      %dma_start3A_36 = tpu.memref_slice %arg2[%dma_start3A, %dma_start3A_35] : memref<10000x128xf32, #tpu.memory_space<hbm>> -> memref<10000x128xf32, #tpu.memory_space<hbm>>
      tpu.enqueue_indirect_dma source(%dma_start3A_36 : memref<10000x128xf32, #tpu.memory_space<hbm>>) target(%arg12 : memref<80x128xf32, #tpu.memory_space<vmem>>) offsets(%arg10 : memref<80xi32, #tpu.memory_space<vmem>>) semaphore(%arg16 : memref<!tpu.dma_semaphore, #tpu.memory_space<semaphore_mem>>)
      %dma_wait3A = arith.constant 0 : i32
      %dma_wait3A_37 = arith.constant 0 : i32
      %dma_wait3A_38 = tpu.memref_slice %arg2[%dma_wait3A, %dma_wait3A_37] : memref<10000x128xf32, #tpu.memory_space<hbm>> -> memref<10000x128xf32, #tpu.memory_space<hbm>>
      tpu.wait_indirect_dma semaphore(%arg16 : memref<!tpu.dma_semaphore, #tpu.memory_space<semaphore_mem>>) src(%dma_wait3A_38 : memref<10000x128xf32, #tpu.memory_space<hbm>>) dst(%arg12 : memref<80x128xf32, #tpu.memory_space<vmem>>)
      "tpu.region"() ({
        %run_scoped3A = tpu.sem_alloc : memref<!tpu.dma_semaphore, #tpu.memory_space<semaphore_mem>>
        %dma_start3A_45 = arith.constant 0 : i32
        %dma_start3A_46 = tpu.memref_slice %arg3[%add3A_34, %dma_start3A_45] : memref<640000x64xf32, #tpu.memory_space<hbm>> -> memref<80x64xf32, #tpu.memory_space<hbm>>
        %dma_start3A_47 = arith.constant 0 : i32
        %dma_start3A_48 = tpu.memref_slice %arg3[%add3A_34, %dma_start3A_47] : memref<640000x64xf32, #tpu.memory_space<hbm>> -> memref<80x64xf32, #tpu.memory_space<hbm>>
        tpu.enqueue_dma source(%dma_start3A_48 : memref<80x64xf32, #tpu.memory_space<hbm>>) target(%arg13 : memref<80x64xf32, #tpu.memory_space<vmem>>) target_semaphore(%run_scoped3A : memref<!tpu.dma_semaphore, #tpu.memory_space<semaphore_mem>>)
        %dma_wait3A_49 = arith.constant 0 : i32
        %dma_wait3A_50 = tpu.memref_slice %arg3[%add3A_34, %dma_wait3A_49] : memref<640000x64xf32, #tpu.memory_space<hbm>> -> memref<80x64xf32, #tpu.memory_space<hbm>>
        %dma_wait3A_51 = arith.constant 0 : i32
        %dma_wait3A_52 = tpu.memref_slice %arg3[%add3A_34, %dma_wait3A_51] : memref<640000x64xf32, #tpu.memory_space<hbm>> -> memref<80x64xf32, #tpu.memory_space<hbm>>
        tpu.wait_dma2 semaphore(%run_scoped3A : memref<!tpu.dma_semaphore, #tpu.memory_space<semaphore_mem>>) src(%dma_wait3A_52 : memref<80x64xf32, #tpu.memory_space<hbm>>) dst(%arg13 : memref<80x64xf32, #tpu.memory_space<vmem>>)
        tpu.yield
      }) : () -> ()
      %scan3A_39 = arith.constant 0 : i32
      %scan3A_40 = arith.constant 0 : i32
      %scan3A_41 = arith.constant 80 : i32
      %scan3A_42 = arith.addi %scan3A_40, %scan3A_41 : i32
      %scan3A_43 = arith.constant 1 : i32
      scf.for %scan3A_45 = %scan3A_40 to %scan3A_42 step %scan3A_43  : i32 {
        %add3A_46 = arith.constant 0 : i32
        %add3A_47 = arith.addi %mul3A_11, %add3A_46 : i32
        %get3A_48 = arith.index_cast %scan3A_45 : i32 to index
        %get3A_49 = arith.index_cast %add3A_47 : i32 to index
        %get3A_50 = tpu.vector_load %arg12[%get3A_48, %get3A_49] {strides = array<i32>} : memref<80x128xf32, #tpu.memory_space<vmem>>, vector<1x16xf32>,
        %get3A_51 = vector.shape_cast %get3A_50 : vector<1x16xf32> to vector<16xf32>
        %get3A_52 = arith.index_cast %scan3A_45 : i32 to index
        %get3A_53 = arith.constant 0 : index
        %get3A_54 = tpu.vector_load %arg13[%get3A_52, %get3A_53] {strides = array<i32>} : memref<80x64xf32, #tpu.memory_space<vmem>>, vector<1x16xf32>,
        %get3A_55 = vector.shape_cast %get3A_54 : vector<1x16xf32> to vector<16xf32>
        %add3A_56 = arith.addf %get3A_51, %get3A_55 : vector<16xf32>
        %max3A = arith.constant 0.000000e+00 : f32
        %max3A_57 = vector.broadcast %max3A : f32 to vector<16xf32>
        %max3A_58 = arith.maximumf %add3A_56, %max3A_57 : vector<16xf32>
        %add3A_59 = arith.constant 1.000000e-07 : f32
        %add3A_60 = vector.broadcast %add3A_59 : f32 to vector<16xf32>
        %add3A_61 = arith.addf %max3A_58, %add3A_60 : vector<16xf32>
        %mul3A_62 = arith.mulf %add3A_61, %get3A_9 : vector<16xf32>
        %exp3A = math.exp %mul3A_62 : vector<16xf32>
        %swap3A = arith.index_cast %scan3A_45 : i32 to index
        %swap3A_63 = arith.constant 0 : index
        %swap3A_64 = tpu.vector_load %arg14[%swap3A, %swap3A_63] {strides = array<i32>} : memref<80x128xf32, #tpu.memory_space<vmem>>, vector<1x16xf32>,
        %swap3A_65 = vector.shape_cast %swap3A_64 : vector<1x16xf32> to vector<16xf32>
        %swap3A_66 = vector.shape_cast %exp3A : vector<16xf32> to vector<1x16xf32>
        tpu.vector_store %arg14[%swap3A, %swap3A_63], %swap3A_66 {strides = array<i32>} : memref<80x128xf32, #tpu.memory_space<vmem>>, vector<1x16xf32>,
        %mul3A_67 = arith.mulf %exp3A, %add3A_61 : vector<16xf32>
        %swap3A_68 = arith.index_cast %scan3A_45 : i32 to index
        %swap3A_69 = arith.constant 64 : index
        %swap3A_70 = tpu.vector_load %arg14[%swap3A_68, %swap3A_69] {strides = array<i32>} : memref<80x128xf32, #tpu.memory_space<vmem>>, vector<1x16xf32>,
        %swap3A_71 = vector.shape_cast %swap3A_70 : vector<1x16xf32> to vector<16xf32>
        %swap3A_72 = vector.shape_cast %mul3A_67 : vector<16xf32> to vector<1x16xf32>
        tpu.vector_store %arg14[%swap3A_68, %swap3A_69], %swap3A_72 {strides = array<i32>} : memref<80x128xf32, #tpu.memory_space<vmem>>, vector<1x16xf32>,
        %add3A_73 = arith.constant 16 : i32
        %add3A_74 = arith.addi %mul3A_11, %add3A_73 : i32
        %get3A_75 = arith.index_cast %scan3A_45 : i32 to index
        %get3A_76 = arith.index_cast %add3A_74 : i32 to index
        %get3A_77 = tpu.vector_load %arg12[%get3A_75, %get3A_76] {strides = array<i32>} : memref<80x128xf32, #tpu.memory_space<vmem>>, vector<1x16xf32>,
        %get3A_78 = vector.shape_cast %get3A_77 : vector<1x16xf32> to vector<16xf32>
        %get3A_79 = arith.index_cast %scan3A_45 : i32 to index
        %get3A_80 = arith.constant 16 : index
        %get3A_81 = tpu.vector_load %arg13[%get3A_79, %get3A_80] {strides = array<i32>} : memref<80x64xf32, #tpu.memory_space<vmem>>, vector<1x16xf32>,
        %get3A_82 = vector.shape_cast %get3A_81 : vector<1x16xf32> to vector<16xf32>
        %add3A_83 = arith.addf %get3A_78, %get3A_82 : vector<16xf32>
        %max3A_84 = arith.constant 0.000000e+00 : f32
        %max3A_85 = vector.broadcast %max3A_84 : f32 to vector<16xf32>
        %max3A_86 = arith.maximumf %add3A_83, %max3A_85 : vector<16xf32>
        %add3A_87 = arith.constant 1.000000e-07 : f32
        %add3A_88 = vector.broadcast %add3A_87 : f32 to vector<16xf32>
        %add3A_89 = arith.addf %max3A_86, %add3A_88 : vector<16xf32>
        %mul3A_90 = arith.mulf %add3A_89, %get3A_9 : vector<16xf32>
        %exp3A_91 = math.exp %mul3A_90 : vector<16xf32>
        %swap3A_92 = arith.index_cast %scan3A_45 : i32 to index
        %swap3A_93 = arith.constant 16 : index
        %swap3A_94 = tpu.vector_load %arg14[%swap3A_92, %swap3A_93] {strides = array<i32>} : memref<80x128xf32, #tpu.memory_space<vmem>>, vector<1x16xf32>,
        %swap3A_95 = vector.shape_cast %swap3A_94 : vector<1x16xf32> to vector<16xf32>
        %swap3A_96 = vector.shape_cast %exp3A_91 : vector<16xf32> to vector<1x16xf32>
        tpu.vector_store %arg14[%swap3A_92, %swap3A_93], %swap3A_96 {strides = array<i32>} : memref<80x128xf32, #tpu.memory_space<vmem>>, vector<1x16xf32>,
        %mul3A_97 = arith.mulf %exp3A_91, %add3A_89 : vector<16xf32>
        %swap3A_98 = arith.index_cast %scan3A_45 : i32 to index
        %swap3A_99 = arith.constant 80 : index
        %swap3A_100 = tpu.vector_load %arg14[%swap3A_98, %swap3A_99] {strides = array<i32>} : memref<80x128xf32, #tpu.memory_space<vmem>>, vector<1x16xf32>,
        %swap3A_101 = vector.shape_cast %swap3A_100 : vector<1x16xf32> to vector<16xf32>
        %swap3A_102 = vector.shape_cast %mul3A_97 : vector<16xf32> to vector<1x16xf32>
        tpu.vector_store %arg14[%swap3A_98, %swap3A_99], %swap3A_102 {strides = array<i32>} : memref<80x128xf32, #tpu.memory_space<vmem>>, vector<1x16xf32>,
        %add3A_103 = arith.constant 32 : i32
        %add3A_104 = arith.addi %mul3A_11, %add3A_103 : i32
        %get3A_105 = arith.index_cast %scan3A_45 : i32 to index
        %get3A_106 = arith.index_cast %add3A_104 : i32 to index
        %get3A_107 = tpu.vector_load %arg12[%get3A_105, %get3A_106] {strides = array<i32>} : memref<80x128xf32, #tpu.memory_space<vmem>>, vector<1x16xf32>,
        %get3A_108 = vector.shape_cast %get3A_107 : vector<1x16xf32> to vector<16xf32>
        %get3A_109 = arith.index_cast %scan3A_45 : i32 to index
        %get3A_110 = arith.constant 32 : index
        %get3A_111 = tpu.vector_load %arg13[%get3A_109, %get3A_110] {strides = array<i32>} : memref<80x64xf32, #tpu.memory_space<vmem>>, vector<1x16xf32>,
        %get3A_112 = vector.shape_cast %get3A_111 : vector<1x16xf32> to vector<16xf32>
        %add3A_113 = arith.addf %get3A_108, %get3A_112 : vector<16xf32>
        %max3A_114 = arith.constant 0.000000e+00 : f32
        %max3A_115 = vector.broadcast %max3A_114 : f32 to vector<16xf32>
        %max3A_116 = arith.maximumf %add3A_113, %max3A_115 : vector<16xf32>
        %add3A_117 = arith.constant 1.000000e-07 : f32
        %add3A_118 = vector.broadcast %add3A_117 : f32 to vector<16xf32>
        %add3A_119 = arith.addf %max3A_116, %add3A_118 : vector<16xf32>
        %mul3A_120 = arith.mulf %add3A_119, %get3A_9 : vector<16xf32>
        %exp3A_121 = math.exp %mul3A_120 : vector<16xf32>
        %swap3A_122 = arith.index_cast %scan3A_45 : i32 to index
        %swap3A_123 = arith.constant 32 : index
        %swap3A_124 = tpu.vector_load %arg14[%swap3A_122, %swap3A_123] {strides = array<i32>} : memref<80x128xf32, #tpu.memory_space<vmem>>, vector<1x16xf32>,
        %swap3A_125 = vector.shape_cast %swap3A_124 : vector<1x16xf32> to vector<16xf32>
        %swap3A_126 = vector.shape_cast %exp3A_121 : vector<16xf32> to vector<1x16xf32>
        tpu.vector_store %arg14[%swap3A_122, %swap3A_123], %swap3A_126 {strides = array<i32>} : memref<80x128xf32, #tpu.memory_space<vmem>>, vector<1x16xf32>,
        %mul3A_127 = arith.mulf %exp3A_121, %add3A_119 : vector<16xf32>
        %swap3A_128 = arith.index_cast %scan3A_45 : i32 to index
        %swap3A_129 = arith.constant 96 : index
        %swap3A_130 = tpu.vector_load %arg14[%swap3A_128, %swap3A_129] {strides = array<i32>} : memref<80x128xf32, #tpu.memory_space<vmem>>, vector<1x16xf32>,
        %swap3A_131 = vector.shape_cast %swap3A_130 : vector<1x16xf32> to vector<16xf32>
        %swap3A_132 = vector.shape_cast %mul3A_127 : vector<16xf32> to vector<1x16xf32>
        tpu.vector_store %arg14[%swap3A_128, %swap3A_129], %swap3A_132 {strides = array<i32>} : memref<80x128xf32, #tpu.memory_space<vmem>>, vector<1x16xf32>,
        %add3A_133 = arith.constant 48 : i32
        %add3A_134 = arith.addi %mul3A_11, %add3A_133 : i32
        %get3A_135 = arith.index_cast %scan3A_45 : i32 to index
        %get3A_136 = arith.index_cast %add3A_134 : i32 to index
        %get3A_137 = tpu.vector_load %arg12[%get3A_135, %get3A_136] {strides = array<i32>} : memref<80x128xf32, #tpu.memory_space<vmem>>, vector<1x16xf32>,
        %get3A_138 = vector.shape_cast %get3A_137 : vector<1x16xf32> to vector<16xf32>
        %get3A_139 = arith.index_cast %scan3A_45 : i32 to index
        %get3A_140 = arith.constant 48 : index
        %get3A_141 = tpu.vector_load %arg13[%get3A_139, %get3A_140] {strides = array<i32>} : memref<80x64xf32, #tpu.memory_space<vmem>>, vector<1x16xf32>,
        %get3A_142 = vector.shape_cast %get3A_141 : vector<1x16xf32> to vector<16xf32>
        %add3A_143 = arith.addf %get3A_138, %get3A_142 : vector<16xf32>
        %max3A_144 = arith.constant 0.000000e+00 : f32
        %max3A_145 = vector.broadcast %max3A_144 : f32 to vector<16xf32>
        %max3A_146 = arith.maximumf %add3A_143, %max3A_145 : vector<16xf32>
        %add3A_147 = arith.constant 1.000000e-07 : f32
        %add3A_148 = vector.broadcast %add3A_147 : f32 to vector<16xf32>
        %add3A_149 = arith.addf %max3A_146, %add3A_148 : vector<16xf32>
        %mul3A_150 = arith.mulf %add3A_149, %get3A_9 : vector<16xf32>
        %exp3A_151 = math.exp %mul3A_150 : vector<16xf32>
        %swap3A_152 = arith.index_cast %scan3A_45 : i32 to index
        %swap3A_153 = arith.constant 48 : index
        %swap3A_154 = tpu.vector_load %arg14[%swap3A_152, %swap3A_153] {strides = array<i32>} : memref<80x128xf32, #tpu.memory_space<vmem>>, vector<1x16xf32>,
        %swap3A_155 = vector.shape_cast %swap3A_154 : vector<1x16xf32> to vector<16xf32>
        %swap3A_156 = vector.shape_cast %exp3A_151 : vector<16xf32> to vector<1x16xf32>
        tpu.vector_store %arg14[%swap3A_152, %swap3A_153], %swap3A_156 {strides = array<i32>} : memref<80x128xf32, #tpu.memory_space<vmem>>, vector<1x16xf32>,
        %mul3A_157 = arith.mulf %exp3A_151, %add3A_149 : vector<16xf32>
        %swap3A_158 = arith.index_cast %scan3A_45 : i32 to index
        %swap3A_159 = arith.constant 112 : index
        %swap3A_160 = tpu.vector_load %arg14[%swap3A_158, %swap3A_159] {strides = array<i32>} : memref<80x128xf32, #tpu.memory_space<vmem>>, vector<1x16xf32>,
        %swap3A_161 = vector.shape_cast %swap3A_160 : vector<1x16xf32> to vector<16xf32>
        %swap3A_162 = vector.shape_cast %mul3A_157 : vector<16xf32> to vector<1x16xf32>
        tpu.vector_store %arg14[%swap3A_158, %swap3A_159], %swap3A_162 {strides = array<i32>} : memref<80x128xf32, #tpu.memory_space<vmem>>, vector<1x16xf32>,
      }
      %scan3A_44 = arith.constant 80 : i32
      "tpu.region"() ({
        %run_scoped3A = tpu.sem_alloc : memref<!tpu.dma_semaphore, #tpu.memory_space<semaphore_mem>>
        %dma_start3A_45 = arith.constant 0 : i32
        %dma_start3A_46 = arith.constant 0 : i32
        %dma_start3A_47 = tpu.memref_slice %arg9[%dma_start3A_45, %dma_start3A_46] : memref<10000x128xf32, #tpu.memory_space<vmem_shared>> -> memref<10000x128xf32, #tpu.memory_space<vmem_shared>>
        tpu.enqueue_indirect_dma source(%arg14 : memref<80x128xf32, #tpu.memory_space<vmem>>) target(%dma_start3A_47 : memref<10000x128xf32, #tpu.memory_space<vmem_shared>>) offsets(%arg11 : memref<80xi32, #tpu.memory_space<vmem>>) semaphore(%run_scoped3A : memref<!tpu.dma_semaphore, #tpu.memory_space<semaphore_mem>>) {add = true}
        %dma_wait3A_48 = arith.constant 0 : i32
        %dma_wait3A_49 = arith.constant 0 : i32
        %dma_wait3A_50 = tpu.memref_slice %arg9[%dma_wait3A_48, %dma_wait3A_49] : memref<10000x128xf32, #tpu.memory_space<vmem_shared>> -> memref<10000x128xf32, #tpu.memory_space<vmem_shared>>
        tpu.wait_indirect_dma semaphore(%run_scoped3A : memref<!tpu.dma_semaphore, #tpu.memory_space<semaphore_mem>>) src(%arg14 : memref<80x128xf32, #tpu.memory_space<vmem>>) dst(%dma_wait3A_50 : memref<10000x128xf32, #tpu.memory_space<vmem_shared>>)
        tpu.yield
      }) : () -> ()
    }
    %scan3A_16 = arith.constant 250 : i32
    %barrier3A_17 = arith.constant 0 : index
    tpu.barrier barrier_id(%barrier3A_17)
    %mul3A_18 = arith.constant 10000 : i32
    %mul3A_19 = arith.muli %arg0, %mul3A_18 : i32
    %add3A_20 = arith.addi %mul3A_19, %mul3A_0 : i32
    "tpu.region"() ({
      %run_scoped3A = tpu.sem_alloc : memref<!tpu.dma_semaphore, #tpu.memory_space<semaphore_mem>>
      %dma_start3A = arith.constant 0 : i32
      %dma_start3A_26 = tpu.memref_slice %arg8[%add3A_20, %dma_start3A] : memref<20000x128xf32, #tpu.memory_space<hbm>> -> memref<624x128xf32, #tpu.memory_space<hbm>>
      %dma_start3A_27 = arith.constant 0 : i32
      %dma_start3A_28 = tpu.memref_slice %arg9[%mul3A_0, %dma_start3A_27] : memref<10000x128xf32, #tpu.memory_space<vmem_shared>> -> memref<624x128xf32, #tpu.memory_space<vmem_shared>>
      tpu.enqueue_dma source(%dma_start3A_28 : memref<624x128xf32, #tpu.memory_space<vmem_shared>>) target(%dma_start3A_26 : memref<624x128xf32, #tpu.memory_space<hbm>>) target_semaphore(%run_scoped3A : memref<!tpu.dma_semaphore, #tpu.memory_space<semaphore_mem>>)
      %dma_wait3A = arith.constant 0 : i32
      %dma_wait3A_29 = tpu.memref_slice %arg8[%add3A_20, %dma_wait3A] : memref<20000x128xf32, #tpu.memory_space<hbm>> -> memref<624x128xf32, #tpu.memory_space<hbm>>
      %dma_wait3A_30 = arith.constant 0 : i32
      %dma_wait3A_31 = tpu.memref_slice %arg9[%mul3A_0, %dma_wait3A_30] : memref<10000x128xf32, #tpu.memory_space<vmem_shared>> -> memref<624x128xf32, #tpu.memory_space<vmem_shared>>
      tpu.wait_dma2 semaphore(%run_scoped3A : memref<!tpu.dma_semaphore, #tpu.memory_space<semaphore_mem>>) src(%dma_wait3A_31 : memref<624x128xf32, #tpu.memory_space<vmem_shared>>) dst(%dma_wait3A_29 : memref<624x128xf32, #tpu.memory_space<hbm>>)
      tpu.yield
    }) : () -> ()
    %eq3A_21 = arith.constant 15 : i32
    %eq3A_22 = arith.cmpi eq, %arg1, %eq3A_21 : i32
    %convert_element_type3A_23 = arith.extui %eq3A_22 : i1 to i32
    %cond3A_24 = arith.constant 0 : i32
    %cond3A_25 = arith.cmpi ne, %convert_element_type3A_23, %cond3A_24 : i32
    scf.if %cond3A_25 {
      %mul3A_26 = arith.constant 10000 : i32
      %mul3A_27 = arith.muli %arg0, %mul3A_26 : i32
      %add3A_28 = arith.constant 9984 : i32
      %add3A_29 = arith.addi %mul3A_27, %add3A_28 : i32
      "tpu.region"() ({
        %run_scoped3A = tpu.sem_alloc : memref<!tpu.dma_semaphore, #tpu.memory_space<semaphore_mem>>
        %dma_start3A = arith.constant 0 : i32
        %dma_start3A_30 = tpu.memref_slice %arg8[%add3A_29, %dma_start3A] : memref<20000x128xf32, #tpu.memory_space<hbm>> -> memref<16x128xf32, #tpu.memory_space<hbm>>
        %dma_start3A_31 = arith.constant 9984 : i32
        %dma_start3A_32 = arith.constant 0 : i32
        %dma_start3A_33 = tpu.memref_slice %arg9[%dma_start3A_31, %dma_start3A_32] : memref<10000x128xf32, #tpu.memory_space<vmem_shared>> -> memref<16x128xf32, #tpu.memory_space<vmem_shared>>
        tpu.enqueue_dma source(%dma_start3A_33 : memref<16x128xf32, #tpu.memory_space<vmem_shared>>) target(%dma_start3A_30 : memref<16x128xf32, #tpu.memory_space<hbm>>) target_semaphore(%run_scoped3A : memref<!tpu.dma_semaphore, #tpu.memory_space<semaphore_mem>>)
        %dma_wait3A = arith.constant 0 : i32
        %dma_wait3A_34 = tpu.memref_slice %arg8[%add3A_29, %dma_wait3A] : memref<20000x128xf32, #tpu.memory_space<hbm>> -> memref<16x128xf32, #tpu.memory_space<hbm>>
        %dma_wait3A_35 = arith.constant 9984 : i32
        %dma_wait3A_36 = arith.constant 0 : i32
        %dma_wait3A_37 = tpu.memref_slice %arg9[%dma_wait3A_35, %dma_wait3A_36] : memref<10000x128xf32, #tpu.memory_space<vmem_shared>> -> memref<16x128xf32, #tpu.memory_space<vmem_shared>>
        tpu.wait_dma2 semaphore(%run_scoped3A : memref<!tpu.dma_semaphore, #tpu.memory_space<semaphore_mem>>) src(%dma_wait3A_37 : memref<16x128xf32, #tpu.memory_space<vmem_shared>>) dst(%dma_wait3A_34 : memref<16x128xf32, #tpu.memory_space<hbm>>)
        tpu.yield
      }) : () -> ()
    } else {
    }
    return
  }
}

module attributes {stable_mosaic.version = 14 : i64} {
  func.func @_edge_lin_body3(%arg0: i32, %arg1: i32, %arg2: memref<8000x16xf32, #tpu.memory_space<vmem>>, %arg3: memref<1x16x64xf32, #tpu.memory_space<vmem>>, %arg4: memref<1x1x64xf32, #tpu.memory_space<vmem>>, %arg5: memref<1x8000x64xf32, #tpu.memory_space<vmem>>) attributes {dimension_semantics = [#tpu.dimension_semantics<arbitrary>, #tpu.dimension_semantics<arbitrary>], iteration_bounds = array<i64: 2, 40>, scalar_prefetch = 0 : i64, scratch_operands = 0 : i64, tpu.core_type = #tpu.core_type<tc>, window_params = [{transform_indices = @transform_0, window_bounds = array<i64: 8000, 16>}, {transform_indices = @transform_1, window_bounds = array<i64: 1, 16, 64>}, {transform_indices = @transform_2, window_bounds = array<i64: 1, 1, 64>}, {transform_indices = @transform_3, window_bounds = array<i64: 1, 8000, 64>}]} {
    %get3A = arith.constant 0 : index
    %get3A_0 = arith.constant 0 : index
    %get3A_1 = vector.load %arg2[%get3A, %get3A_0] : memref<8000x16xf32, #tpu.memory_space<vmem>>, vector<8000x16xf32>
    %get3A_2 = arith.constant 0 : index
    %get3A_3 = arith.constant 0 : index
    %get3A_4 = arith.constant 0 : index
    %get3A_5 = vector.load %arg3[%get3A_2, %get3A_3, %get3A_4] : memref<1x16x64xf32, #tpu.memory_space<vmem>>, vector<1x16x64xf32>
    %get3A_6 = vector.shape_cast %get3A_5 : vector<1x16x64xf32> to vector<16x64xf32>
    %dot_general3A = arith.constant dense<0.000000e+00> : vector<8000x64xf32>
    %dot_general3A_7 = tpu.matmul %get3A_1, %get3A_6, %dot_general3A {dimension_numbers = #tpu.dot_dimension_numbers<[1], [0], [0], [1], [0, 0, 1, 1], [], []>, transpose_lhs_hint = false} : vector<8000x16xf32>, vector<16x64xf32>, vector<8000x64xf32> -> vector<8000x64xf32>
    %get3A_8 = arith.constant 0 : index
    %get3A_9 = arith.constant 0 : index
    %get3A_10 = arith.constant 0 : index
    %get3A_11 = vector.load %arg4[%get3A_8, %get3A_9, %get3A_10] : memref<1x1x64xf32, #tpu.memory_space<vmem>>, vector<1x1x64xf32>
    %get3A_12 = vector.shape_cast %get3A_11 : vector<1x1x64xf32> to vector<1x64xf32>
    %add3A = vector.broadcast %get3A_12 : vector<1x64xf32> to vector<8000x64xf32>
    %add3A_13 = arith.addf %dot_general3A_7, %add3A : vector<8000x64xf32>
    %swap3A = arith.constant 0 : index
    %swap3A_14 = arith.constant 0 : index
    %swap3A_15 = arith.constant 0 : index
    %swap3A_16 = vector.load %arg5[%swap3A, %swap3A_14, %swap3A_15] : memref<1x8000x64xf32, #tpu.memory_space<vmem>>, vector<1x8000x64xf32>
    %swap3A_17 = vector.shape_cast %swap3A_16 : vector<1x8000x64xf32> to vector<8000x64xf32>
    %swap3A_18 = vector.shape_cast %add3A_13 : vector<8000x64xf32> to vector<1x8000x64xf32>
    tpu.vector_store %arg5[%swap3A, %swap3A_14, %swap3A_15], %swap3A_18 {strides = array<i32>} : memref<1x8000x64xf32, #tpu.memory_space<vmem>>, vector<1x8000x64xf32>,
    return
  }
  func.func @transform_0(%arg0: i32, %arg1: i32) -> (i32, i32) {
    %c0_i32 = arith.constant 0 : i32
    %c0_i32_0 = arith.constant 0 : i32
    return %arg1, %c0_i32 : i32, i32
  }
  func.func @transform_1(%arg0: i32, %arg1: i32) -> (i32, i32, i32) {
    %c0_i32 = arith.constant 0 : i32
    %c0_i32_0 = arith.constant 0 : i32
    %c0_i32_1 = arith.constant 0 : i32
    return %arg0, %c0_i32, %c0_i32_0 : i32, i32, i32
  }
  func.func @transform_2(%arg0: i32, %arg1: i32) -> (i32, i32, i32) {
    %c0_i32 = arith.constant 0 : i32
    %c0_i32_0 = arith.constant 0 : i32
    %c0_i32_1 = arith.constant 0 : i32
    return %arg0, %c0_i32, %c0_i32_0 : i32, i32, i32
  }
  func.func @transform_3(%arg0: i32, %arg1: i32) -> (i32, i32, i32) {
    %c0_i32 = arith.constant 0 : i32
    %c0_i32_0 = arith.constant 0 : i32
    return %arg0, %arg1, %c0_i32 : i32, i32, i32
  }
}

module attributes {stable_mosaic.version = 14 : i64} {
  func.func @_tail_body(%arg0: memref<10000x128xf32, #tpu.memory_space<vmem>>, %arg1: memref<20000x128xf32, #tpu.memory_space<vmem>>, %arg2: memref<128x256xf32, #tpu.memory_space<vmem>>, %arg3: memref<1x256xf32, #tpu.memory_space<vmem>>, %arg4: memref<256x128xf32, #tpu.memory_space<vmem>>, %arg5: memref<1x128xf32, #tpu.memory_space<vmem>>, %arg6: memref<1x128xf32, #tpu.memory_space<vmem>>, %arg7: memref<1x128xf32, #tpu.memory_space<vmem>>, %arg8: memref<128x128xf32, #tpu.memory_space<vmem>>, %arg9: memref<1x128xf32, #tpu.memory_space<vmem>>, %arg10: memref<1x128xf32, #tpu.memory_space<vmem>>, %arg11: memref<10000x128xf32, #tpu.memory_space<vmem>>) attributes {dimension_semantics = [], scalar_prefetch = 0 : i64, scratch_operands = 0 : i64, tpu.core_type = #tpu.core_type<tc>} {
    %get3A = arith.constant 0 : index
    %get3A_0 = arith.constant 0 : index
    %get3A_1 = vector.load %arg0[%get3A, %get3A_0] : memref<10000x128xf32, #tpu.memory_space<vmem>>, vector<10000x128xf32>
    %get3A_2 = arith.constant 0 : index
    %get3A_3 = arith.constant 0 : index
    %get3A_4 = vector.load %arg1[%get3A_2, %get3A_3] : memref<20000x128xf32, #tpu.memory_space<vmem>>, vector<10000x128xf32>
    %get3A_5 = arith.constant 10000 : index
    %get3A_6 = arith.constant 0 : index
    %get3A_7 = vector.load %arg1[%get3A_5, %get3A_6] : memref<20000x128xf32, #tpu.memory_space<vmem>>, vector<10000x128xf32>
    %slice3A = vector.extract_strided_slice %get3A_4 {offsets = [0, 0], sizes = [10000, 64], strides = [1, 1]} : vector<10000x128xf32> to vector<10000x64xf32>
    %slice3A_8 = vector.extract_strided_slice %get3A_7 {offsets = [0, 0], sizes = [10000, 64], strides = [1, 1]} : vector<10000x128xf32> to vector<10000x64xf32>
    %concatenate3A = tpu.concatenate %slice3A, %slice3A_8 in 1 : vector<10000x64xf32>, vector<10000x64xf32> -> vector<10000x128xf32>
    %slice3A_9 = vector.extract_strided_slice %get3A_4 {offsets = [0, 64], sizes = [10000, 64], strides = [1, 1]} : vector<10000x128xf32> to vector<10000x64xf32>
    %slice3A_10 = vector.extract_strided_slice %get3A_7 {offsets = [0, 64], sizes = [10000, 64], strides = [1, 1]} : vector<10000x128xf32> to vector<10000x64xf32>
    %concatenate3A_11 = tpu.concatenate %slice3A_9, %slice3A_10 in 1 : vector<10000x64xf32>, vector<10000x64xf32> -> vector<10000x128xf32>
    %add3A = arith.constant 1.000000e-16 : f32
    %add3A_12 = vector.broadcast %add3A : f32 to vector<10000x128xf32>
    %add3A_13 = arith.addf %concatenate3A, %add3A_12 : vector<10000x128xf32>
    %div3A = arith.divf %concatenate3A_11, %add3A_13 : vector<10000x128xf32>
    %add3A_14 = arith.addf %get3A_1, %div3A : vector<10000x128xf32>
    %get3A_15 = arith.constant 0 : index
    %get3A_16 = arith.constant 0 : index
    %get3A_17 = vector.load %arg2[%get3A_15, %get3A_16] : memref<128x256xf32, #tpu.memory_space<vmem>>, vector<128x256xf32>
    %dot_general3A = arith.constant dense<0.000000e+00> : vector<10000x256xf32>
    %dot_general3A_18 = tpu.matmul %add3A_14, %get3A_17, %dot_general3A {dimension_numbers = #tpu.dot_dimension_numbers<[1], [0], [0], [1], [0, 0, 1, 1], [], []>, transpose_lhs_hint = false} : vector<10000x128xf32>, vector<128x256xf32>, vector<10000x256xf32> -> vector<10000x256xf32>
    %get3A_19 = arith.constant 0 : index
    %get3A_20 = arith.constant 0 : index
    %get3A_21 = vector.load %arg3[%get3A_19, %get3A_20] : memref<1x256xf32, #tpu.memory_space<vmem>>, vector<1x256xf32>
    %add3A_22 = vector.broadcast %get3A_21 : vector<1x256xf32> to vector<10000x256xf32>
    %add3A_23 = arith.addf %dot_general3A_18, %add3A_22 : vector<10000x256xf32>
    %max3A = arith.constant 0.000000e+00 : f32
    %max3A_24 = vector.broadcast %max3A : f32 to vector<10000x256xf32>
    %max3A_25 = arith.maximumf %add3A_23, %max3A_24 : vector<10000x256xf32>
    %get3A_26 = arith.constant 0 : index
    %get3A_27 = arith.constant 0 : index
    %get3A_28 = vector.load %arg4[%get3A_26, %get3A_27] : memref<256x128xf32, #tpu.memory_space<vmem>>, vector<256x128xf32>
    %dot_general3A_29 = arith.constant dense<0.000000e+00> : vector<10000x128xf32>
    %dot_general3A_30 = tpu.matmul %max3A_25, %get3A_28, %dot_general3A_29 {dimension_numbers = #tpu.dot_dimension_numbers<[1], [0], [0], [1], [0, 0, 1, 1], [], []>, transpose_lhs_hint = false} : vector<10000x256xf32>, vector<256x128xf32>, vector<10000x128xf32> -> vector<10000x128xf32>
    %get3A_31 = arith.constant 0 : index
    %get3A_32 = arith.constant 0 : index
    %get3A_33 = vector.load %arg5[%get3A_31, %get3A_32] : memref<1x128xf32, #tpu.memory_space<vmem>>, vector<1x128xf32>
    %add3A_34 = vector.broadcast %get3A_33 : vector<1x128xf32> to vector<10000x128xf32>
    %add3A_35 = arith.addf %dot_general3A_30, %add3A_34 : vector<10000x128xf32>
    %reduce_sum3A = arith.constant dense<0.000000e+00> : vector<128xf32>
    %reduce_sum3A_36 = vector.multi_reduction <add>, %add3A_35, %reduce_sum3A [0] : vector<10000x128xf32> to vector<128xf32>
    %broadcast_in_dim3A = vector.shape_cast %reduce_sum3A_36 : vector<128xf32> to vector<1x128xf32>
    %div3A_37 = arith.constant 1.000000e+04 : f32
    %div3A_38 = vector.broadcast %div3A_37 : f32 to vector<1x128xf32>
    %div3A_39 = arith.divf %broadcast_in_dim3A, %div3A_38 : vector<1x128xf32>
    %sub3A = vector.broadcast %div3A_39 : vector<1x128xf32> to vector<10000x128xf32>
    %sub3A_40 = arith.subf %add3A_35, %sub3A : vector<10000x128xf32>
    %integer_pow3A = arith.mulf %sub3A_40, %sub3A_40 : vector<10000x128xf32>
    %reduce_sum3A_41 = arith.constant dense<0.000000e+00> : vector<128xf32>
    %reduce_sum3A_42 = vector.multi_reduction <add>, %integer_pow3A, %reduce_sum3A_41 [0] : vector<10000x128xf32> to vector<128xf32>
    %broadcast_in_dim3A_43 = vector.shape_cast %reduce_sum3A_42 : vector<128xf32> to vector<1x128xf32>
    %div3A_44 = arith.constant 1.000000e+04 : f32
    %div3A_45 = vector.broadcast %div3A_44 : f32 to vector<1x128xf32>
    %div3A_46 = arith.divf %broadcast_in_dim3A_43, %div3A_45 : vector<1x128xf32>
    %sub3A_47 = vector.broadcast %div3A_39 : vector<1x128xf32> to vector<10000x128xf32>
    %sub3A_48 = arith.subf %add3A_35, %sub3A_47 : vector<10000x128xf32>
    %add3A_49 = arith.constant 9.99999974E-6 : f32
    %add3A_50 = vector.broadcast %add3A_49 : f32 to vector<1x128xf32>
    %add3A_51 = arith.addf %div3A_46, %add3A_50 : vector<1x128xf32>
    %sqrt3A = math.sqrt %add3A_51 : vector<1x128xf32>
    %div3A_52 = vector.broadcast %sqrt3A : vector<1x128xf32> to vector<10000x128xf32>
    %div3A_53 = arith.divf %sub3A_48, %div3A_52 : vector<10000x128xf32>
    %get3A_54 = arith.constant 0 : index
    %get3A_55 = arith.constant 0 : index
    %get3A_56 = vector.load %arg6[%get3A_54, %get3A_55] : memref<1x128xf32, #tpu.memory_space<vmem>>, vector<1x128xf32>
    %mul3A = vector.broadcast %get3A_56 : vector<1x128xf32> to vector<10000x128xf32>
    %mul3A_57 = arith.mulf %div3A_53, %mul3A : vector<10000x128xf32>
    %get3A_58 = arith.constant 0 : index
    %get3A_59 = arith.constant 0 : index
    %get3A_60 = vector.load %arg7[%get3A_58, %get3A_59] : memref<1x128xf32, #tpu.memory_space<vmem>>, vector<1x128xf32>
    %add3A_61 = vector.broadcast %get3A_60 : vector<1x128xf32> to vector<10000x128xf32>
    %add3A_62 = arith.addf %mul3A_57, %add3A_61 : vector<10000x128xf32>
    %logistic3A = arith.negf %add3A_62 : vector<10000x128xf32>
    %logistic3A_63 = math.exp %logistic3A : vector<10000x128xf32>
    %logistic3A_64 = arith.constant 1.000000e+00 : f32
    %logistic3A_65 = vector.broadcast %logistic3A_64 : f32 to vector<10000x128xf32>
    %logistic3A_66 = arith.addf %logistic3A_65, %logistic3A_63 : vector<10000x128xf32>
    %logistic3A_67 = arith.divf %logistic3A_65, %logistic3A_66 : vector<10000x128xf32>
    %mul3A_68 = arith.mulf %add3A_62, %logistic3A_67 : vector<10000x128xf32>
    %get3A_69 = arith.constant 0 : index
    %get3A_70 = arith.constant 0 : index
    %get3A_71 = vector.load %arg8[%get3A_69, %get3A_70] : memref<128x128xf32, #tpu.memory_space<vmem>>, vector<128x128xf32>
    %dot_general3A_72 = arith.constant dense<0.000000e+00> : vector<10000x128xf32>
    %dot_general3A_73 = tpu.matmul %mul3A_68, %get3A_71, %dot_general3A_72 {dimension_numbers = #tpu.dot_dimension_numbers<[1], [0], [0], [1], [0, 0, 1, 1], [], []>, transpose_lhs_hint = false} : vector<10000x128xf32>, vector<128x128xf32>, vector<10000x128xf32> -> vector<10000x128xf32>
    %reduce_sum3A_74 = arith.constant dense<0.000000e+00> : vector<128xf32>
    %reduce_sum3A_75 = vector.multi_reduction <add>, %dot_general3A_73, %reduce_sum3A_74 [0] : vector<10000x128xf32> to vector<128xf32>
    %broadcast_in_dim3A_76 = vector.shape_cast %reduce_sum3A_75 : vector<128xf32> to vector<1x128xf32>
    %div3A_77 = arith.constant 1.000000e+04 : f32
    %div3A_78 = vector.broadcast %div3A_77 : f32 to vector<1x128xf32>
    %div3A_79 = arith.divf %broadcast_in_dim3A_76, %div3A_78 : vector<1x128xf32>
    %sub3A_80 = vector.broadcast %div3A_79 : vector<1x128xf32> to vector<10000x128xf32>
    %sub3A_81 = arith.subf %dot_general3A_73, %sub3A_80 : vector<10000x128xf32>
    %integer_pow3A_82 = arith.mulf %sub3A_81, %sub3A_81 : vector<10000x128xf32>
    %reduce_sum3A_83 = arith.constant dense<0.000000e+00> : vector<128xf32>
    %reduce_sum3A_84 = vector.multi_reduction <add>, %integer_pow3A_82, %reduce_sum3A_83 [0] : vector<10000x128xf32> to vector<128xf32>
    %broadcast_in_dim3A_85 = vector.shape_cast %reduce_sum3A_84 : vector<128xf32> to vector<1x128xf32>
    %div3A_86 = arith.constant 1.000000e+04 : f32
    %div3A_87 = vector.broadcast %div3A_86 : f32 to vector<1x128xf32>
    %div3A_88 = arith.divf %broadcast_in_dim3A_85, %div3A_87 : vector<1x128xf32>
    %sub3A_89 = vector.broadcast %div3A_79 : vector<1x128xf32> to vector<10000x128xf32>
    %sub3A_90 = arith.subf %dot_general3A_73, %sub3A_89 : vector<10000x128xf32>
    %add3A_91 = arith.constant 9.99999974E-6 : f32
    %add3A_92 = vector.broadcast %add3A_91 : f32 to vector<1x128xf32>
    %add3A_93 = arith.addf %div3A_88, %add3A_92 : vector<1x128xf32>
    %sqrt3A_94 = math.sqrt %add3A_93 : vector<1x128xf32>
    %div3A_95 = vector.broadcast %sqrt3A_94 : vector<1x128xf32> to vector<10000x128xf32>
    %div3A_96 = arith.divf %sub3A_90, %div3A_95 : vector<10000x128xf32>
    %get3A_97 = arith.constant 0 : index
    %get3A_98 = arith.constant 0 : index
    %get3A_99 = vector.load %arg9[%get3A_97, %get3A_98] : memref<1x128xf32, #tpu.memory_space<vmem>>, vector<1x128xf32>
    %mul3A_100 = vector.broadcast %get3A_99 : vector<1x128xf32> to vector<10000x128xf32>
    %mul3A_101 = arith.mulf %div3A_96, %mul3A_100 : vector<10000x128xf32>
    %get3A_102 = arith.constant 0 : index
    %get3A_103 = arith.constant 0 : index
    %get3A_104 = vector.load %arg10[%get3A_102, %get3A_103] : memref<1x128xf32, #tpu.memory_space<vmem>>, vector<1x128xf32>
    %add3A_105 = vector.broadcast %get3A_104 : vector<1x128xf32> to vector<10000x128xf32>
    %add3A_106 = arith.addf %mul3A_101, %add3A_105 : vector<10000x128xf32>
    %logistic3A_107 = arith.negf %add3A_106 : vector<10000x128xf32>
    %logistic3A_108 = math.exp %logistic3A_107 : vector<10000x128xf32>
    %logistic3A_109 = arith.constant 1.000000e+00 : f32
    %logistic3A_110 = vector.broadcast %logistic3A_109 : f32 to vector<10000x128xf32>
    %logistic3A_111 = arith.addf %logistic3A_110, %logistic3A_108 : vector<10000x128xf32>
    %logistic3A_112 = arith.divf %logistic3A_110, %logistic3A_111 : vector<10000x128xf32>
    %mul3A_113 = arith.mulf %add3A_106, %logistic3A_112 : vector<10000x128xf32>
    %swap3A = arith.constant 0 : index
    %swap3A_114 = arith.constant 0 : index
    %swap3A_115 = vector.load %arg11[%swap3A, %swap3A_114] : memref<10000x128xf32, #tpu.memory_space<vmem>>, vector<10000x128xf32>
    tpu.vector_store %arg11[%swap3A, %swap3A_114], %mul3A_113 {strides = array<i32>} : memref<10000x128xf32, #tpu.memory_space<vmem>>, vector<10000x128xf32>,
    return
  }
}

</mosaic_0001>

<sc_bundles>
// kernel: kernel.5.cloned.1.call-start
scs
__scs_entry_jumppad:
0x0: {  	(pc) =	sbr.rel $0x88, $3  }
0x1: {  	(tag) =	ssettag $0x0;
	lr =	simm.s32 $0x1  }
0x2: {  	[smem:$0x3F92] =	sst lr;
	_ =	strace $0xD0000000  }
0x3: {  	_ = 	snop  }
0x4: {  	_ = 	snop  }
0x5: {  	_ = 	snop  }
0x6: {  	_ = 	snop  }
0x7: {  	_ = 	snop  }
__scs_overlays_trampoline_lowered:
0x8: {  	[smem:$0x3FA1] =	sst s0  }
0x9: {  	[smem:$0x3FA2] =	sst s1  }
0xa: {  	[smem:$0x3FA3] =	sst s2  }
0xb: {  	[smem:$0x3FA4] =	sst s3  }
0xc: {  	[smem:$0x3FA5] =	sst s4  }
0xd: {  	[smem:$0x3FA6] =	sst s5  }
0xe: {  	[smem:$0x3FA7] =	sst s6  }
0xf: {  	[smem:$0x3FA8] =	sst s7  }
0x10: {  	[smem:$0x3FA9] =	sst s8  }
0x11: {  	[smem:$0x3FAA] =	sst s9;
	s0 =	simm.s32 @!p0 $0x0  }
0x12: {  	s1 =	sld [smem:$0x3F90];
	s0 =	simm.s32 @p0 $0x1  }
0x13: {  	[smem:$0x3FAB] =	sst s0;
	s0 =	simm.s32 @!p1 $0x0  }
0x14: {  	s2 =	sld [smem:$0x3F8F];
	s0 =	simm.s32 @p1 $0x1  }
0x15: {  	[smem:$0x3FAC] =	sst s0;
	s0 =	simm.s32 @!p2 $0x0  }
0x16: {  	s3 =	sld [smem:$0x3FDB];
	s0 =	simm.s32 @p2 $0x1  }
0x17: {  	s4 =	simm.s32 $0x1BF5;
	[smem:$0x3FAE] =	sst s0  }
0x18: {  	s0 =	sld [smem:$0x3F91];
	_ =	swait.ge [sflag:s4], $0x0  }
0x19: {  	s7 =	sld [smem:$0x3F92]  }
0x1a: {  	s8 =	sadd.s32 $0xFFFFE003, lr  }
0x1b: {  	s9 =	sadd.s32 $0xFFFFFEF7, lr;
	s5 =	simm.s32 $0xFFFFFFFF;
	p2 =	slt.u32 s8, $0xFFFFF086  }
0x1c: {  	p1 =	slt.u32 s9, $0xF7A;
	s5 =	simm.s32 @!p2 $0x0  }
0x1d: {  	s5 =	simm.s32 @p1 $0x1;
	p0 =	seq.s32 s7, s2  }
0x1e: {  	s7 =	smul.u32 @!p0 $0xF7A, s2;
	p2 =	seq.s32 @!p0 s5, $0x0  }
0x1f: {  	s9 =	smul.u32 $0xF7A, s1;
	s8 =	simm.s32 @!p0 $0x1BF5;
	p2 =	por !p2, p0  }
0x20: {  	[sflag:s8] =	ssyncset.s32 @!p0 $0xFFFFF086;
	s6 =	sadd.s32 @!p0 s3, s7;
	s7 =	simm.s32 @!p0 $0x108  }
0x21: {  	s3 =	sadd.s32 s3, s9;
	s6 =	sadd.s32 @!p0 $0x88, s6;
	s7 =	simm.s32 @p2 $0x1082  }
0x22: {  	[simem:s7], [sflag:s8] =	dma.local @!p0 [hbm:s6], $0xF7A  }
0x23: {  	s9 =	sor.u32 $0xD0000000, s2;
	s6 =	simm.s32 $0x108;
	_ =	swait.ge @!p0 [sflag:s8], $0x0  }
0x24: {  	s3 =	sadd.s32 $0x88, s3;
	s6 =	simm.s32 @!p1 $0x1082;
	[sflag:s4] =	ssyncset.s32 $0xFFFFF086  }
0x25: {  	[simem:s6], [sflag:s4] =	dma.local [hbm:s3], $0xF7A  }
0x26: {  	[smem:$0x3F92] =	sst s1;
	(tag) =	ssettag s2;
	_ =	strace s9  }
0x27: {  	s1 =	sld [smem:$0x3FA2]  }
0x28: {  	s2 =	sld [smem:$0x3FA3]  }
0x29: {  	s4 =	sld [smem:$0x3FA5]  }
0x2a: {  	p0 =	seq.s32 s5, $0x0;
	s5 =	sld [smem:$0x3FA6]  }
0x2b: {  	s6 =	sld [smem:$0x3FA7]  }
0x2c: {  	s7 =	sld [smem:$0x3FA8]  }
0x2d: {  	s3 =	simm.s32 $0x108;
	s8 =	sld [smem:$0x3FA9]  }
0x2e: {  	s3 =	simm.s32 @!p0 $0x1082;
	s9 =	sld [smem:$0x3FAA]  }
0x2f: {  	lr =	sadd.s32 s0, s3;
	s0 =	sld [smem:$0x3FA1]  }
0x30: {  	s3 =	sld [smem:$0x3FA4]  }
0x31: {  	[smem:$0x3FAD] =	sst s10  }
0x32: {  	s10 =	sld [smem:$0x3FAB];
	_ =	sdelay $0x3  }
0x33: {  	p0 =	seq.s32 s10, $0x1;
	s10 =	sld [smem:$0x3FAD];
	_ =	sdelay $0x3  }
0x34: {  	[smem:$0x3FAD] =	sst s10  }
0x35: {  	s10 =	sld [smem:$0x3FAC];
	_ =	sdelay $0x3  }
0x36: {  	p1 =	seq.s32 s10, $0x1;
	s10 =	sld [smem:$0x3FAD];
	_ =	sdelay $0x3  }
0x37: {  	[smem:$0x3FAD] =	sst s10  }
0x38: {  	s10 =	sld [smem:$0x3FAE]  }
0x39: {  	_ = 	snop;
	(pc) =	sbr.ind lr, $3  }
0x3a: {  	_ = 	snop  }
0x3b: {  	_ = 	snop  }
0x3c: {  	p2 =	seq.s32 s10, $0x1;
	s10 =	sld [smem:$0x3FAD]  }
0x3d: {  	_ =	shalt  }
0x3e: {  	_ =	shalt  }
0x3f: {  	_ =	shalt  }
0x40: {  	_ =	shalt  }
0x41: {  	_ =	shalt  }
0x42: {  	_ =	shalt  }
0x43: {  	_ =	shalt  }
0x44: {  	_ =	shalt  }
0x45: {  	_ =	shalt  }
0x46: {  	_ =	shalt  }
0x47: {  	_ =	shalt  }
0x48: {  	_ =	shalt  }
0x49: {  	_ =	shalt  }
0x4a: {  	_ =	shalt  }
0x4b: {  	_ =	shalt  }
0x4c: {  	_ =	shalt  }
0x4d: {  	_ =	shalt  }
0x4e: {  	_ =	shalt  }
0x4f: {  	_ =	shalt  }
0x50: {  	_ =	shalt  }
0x51: {  	_ =	shalt  }
0x52: {  	_ =	shalt  }
0x53: {  	_ =	shalt  }
0x54: {  	_ =	shalt  }
0x55: {  	_ =	shalt  }
0x56: {  	_ =	shalt  }
0x57: {  	_ =	shalt  }
0x58: {  	_ =	shalt  }
0x59: {  	_ =	shalt  }
0x5a: {  	_ =	shalt  }
0x5b: {  	_ =	shalt  }
0x5c: {  	_ =	shalt  }
0x5d: {  	_ =	shalt  }
0x5e: {  	_ =	shalt  }
0x5f: {  	_ =	shalt  }
0x60: {  	_ =	shalt  }
0x61: {  	_ =	shalt  }
0x62: {  	_ =	shalt  }
0x63: {  	_ =	shalt  }
0x64: {  	_ =	shalt  }
0x65: {  	_ =	shalt  }
0x66: {  	_ =	shalt  }
0x67: {  	_ =	shalt  }
0x68: {  	_ =	shalt  }
0x69: {  	_ =	shalt  }
0x6a: {  	_ =	shalt  }
0x6b: {  	_ =	shalt  }
0x6c: {  	_ =	shalt  }
0x6d: {  	_ =	shalt  }
0x6e: {  	_ =	shalt  }
0x6f: {  	_ =	shalt  }
0x70: {  	_ =	shalt  }
0x71: {  	_ =	shalt  }
0x72: {  	_ =	shalt  }
0x73: {  	_ =	shalt  }
0x74: {  	_ =	shalt  }
0x75: {  	_ =	shalt  }
0x76: {  	_ =	shalt  }
0x77: {  	_ =	shalt  }
0x78: {  	_ =	shalt  }
0x79: {  	_ =	shalt  }
0x7a: {  	_ =	shalt  }
0x7b: {  	_ =	shalt  }
0x7c: {  	_ =	shalt  }
0x7d: {  	_ =	shalt  }
0x7e: {  	_ =	shalt  }
0x7f: {  	_ =	shalt  }
0x80: {  	_ =	shalt  }
0x81: {  	_ =	shalt  }
0x82: {  	_ =	shalt  }
0x83: {  	_ =	shalt  }
0x84: {  	_ =	shalt  }
0x85: {  	_ =	shalt  }
0x86: {  	_ =	shalt  }
0x87: {  	_ =	shalt  }
.Lfunc_end0:
.L_simem_size_0:
called_computation_lowered:
.L_overlay_start_0:
0x88: {  	s2 =	sld [smem:$0x3FD9]  }
0x89: {  	s3 =	sld [smem:$0x3FFE];
	_ =	sdelay $0x1  }
0x8a: {  	s1 =	srdreg.scid  }
0x8b: {  	s0 =	sand.u32 $0x1, s1  }
0x8c: {  	s17 =	sshll.u32 s0, $0xA;
	s2 =	sadd.s32 s3, s2  }
0x8d: {  	s2 =	sadd.s32 s2, s17  }
0x8e: {  	[smem:$0x3FB9] =	sst s2  }
0x8f: {  	_ = 	snop  }
0x90: {  	s2 =	sld [smem:$0x3FC9]  }
0x91: {  	s18 =	sld [smem:$0x3FD0];
	(tm) =	ssettm $0x1  }
0x92: {  	s4 =	sld [smem:$0x3FFB];
	_ =	sdelay $0x3  }
0x93: {  	_ =	strace s4  }
0x94: {  	s4 =	sld [smem:$0x3FFC];
	_ =	sdelay $0x3  }
0x95: {  	_ =	strace s4  }
0x96: {  	s4 =	sld [smem:$0x3FFD];
	_ =	sdelay $0x3  }
0x97: {  	_ =	strace s4  }
0x98: {  	_ =	strace $0x8FFFFFFF  }
0x99: {  	s19 =	sld [smem:$0x3FDB];
	_ =	sdelay $0x1  }
0x9a: {  	s5 =	simm.s32 $_scs_section_size  }
0x9b: {  	s6 =	simm.s32 $_size__tile_overlayer_lowered;
	s7 =	simm.s32 $_tile_overlayer_lowered  }
0x9c: {  	s22 =	simm.s32 $0x1BFF;
	s21 =	sshll.u32 s7, $0x1;
	s4 =	sadd.s32 s5, s19  }
0x9d: {  	s8 =	simm.s32 $0x0;
	s20 =	sshll.u32 s6, $0x1;
	s6 =	sadd.s32 s21, s4  }
0x9e: {  	[timem:s8], [sflag:s22] =	dma.local [hbm:s6], s20  }
0x9f: {  	_ =	swait.ge [sflag:s22], s20  }
0xa0: {  	s5 =	ssub.s32 $0x0, s20;
	[sflag:s22] =	ssyncset.done $0x0  }
0xa1: {  	[sflag:s22] =	ssyncadd.s32 s5;
	_ =	sdelay $0x1  }
0xa2: {  	s23 =	simm.s32 $0x1B8B  }
0xa3: {  	_ =	swait.ge [sflag:s23], $0x1  }
0xa4: {  	[sflag:s23] =	ssyncset.done $0x0  }
0xa5: {  	s25 =	simm.s32 $0x1B8E;
	s24 =	sld [smem:$0x3FFE];
	[sflag:s23] =	ssyncadd.s32 $0xFFFFFFFF  }
0xa6: {  	s26 =	simm.s32 $execute0_lowered;
	[smem:$0x3FD2] =	sst s25  }
0xa7: {  	s6 =	sshll.u32 s26, $0x1;
	_ =	strace $0x80000046;
	[dreg:$0x1] =	wrdreg $0xFFFFFFFF  }
0xa8: {  	s28 =	simm.s32 $_size_execute0_lowered;
	s4 =	sadd.s32 s4, s6;
	[dreg:$0x0] =	wrdreg $0x0  }
0xa9: {  	s6 =	sshll.u32 s28, $0x1;
	[dreg:$0x2] =	wrdreg s4  }
0xaa: {  	[dreg:$0x3] =	wrdreg s6  }
0xab: {  	[dreg:$0x4] =	wrdreg $0xC0  }
0xac: {  	_ =	task [dreg:s8], $0x5FFFF  }
0xad: {  	[dreg:$0x1] =	wrdreg $0xFFFFFFFF  }
0xae: {  	[dreg:$0x0] =	wrdreg $0x60  }
0xaf: {  	[dreg:$0x2] =	wrdreg s2  }
0xb0: {  	[dreg:$0x3] =	wrdreg s24  }
0xb1: {  	[dreg:$0x4] =	wrdreg s18  }
0xb2: {  	[dreg:$0x5] =	wrdreg $0x0  }
0xb3: {  	[dreg:$0x6] =	wrdreg $0x9  }
0xb4: {  	_ =	task.clear_ibuf [dreg:s8], $0x7FFFF;
	_ =	strace $0x90000046  }
0xb5: {  	s29 =	simm.s32 $0x9;
	_ =	strace $0x80000048  }
0xb6: {  	_ =	swait.ge [sflag:s29], $0x1  }
0xb7: {  	[sflag:s29] =	ssyncadd.s32 $0xFFFFFFFF  }
0xb8: {  	_ =	strace $0x90000048  }
0xb9: {  	_ =	sfence  }
0xba: {  	s30 =	sld [smem:$0x0];
	_ =	sdelay $0x2  }
0xbb: {  	s31 =	sshll.u32 s1, $0xD;
	s1 =	sshrl.u32 s1, $0x2  }
0xbc: {  	s3 =	sand.u32 $0x4000, s31;
	s1 =	sadd.s32 s1, s30  }
0xbd: {  	s0 =	sor.u32 s3, s0;
	s1 =	sshll.u32 s1, $0x11  }
0xbe: {  	s0 =	sor.u32 s1, s0  }
0xbf: {  	s0 =	sadd.s32 $0x8F2B, s0  }
0xc0: {  	[sflag:s0] =	ssyncadd.remote.s32 $0x1  }
0xc1: {  	_ =	sfence.sel $0xFFFF  }
0xc2: {  	[dreg:$0x0] =	wrdreg $0xFFFFFFFF;
	(pc) =	sbr.abs _section_cstart, $3  }
0xc3: {  	[dreg:$0x1] =	wrdreg $0xFFFFFFFF  }
0xc4: {  	_ =	task.clear_ibuf [dreg:s8], $0x2FFFF;
	_ =	strace $0x9FFFFFFF  }
0xc5: {  	(tm) =	ssettm $0x7FFFFFFF  }
tec
execute0_lowered:
.L_overlay_start_1:
0x0: {  	(tag) =	ssettag $0x1  }
0x1: {  	s1 =	rddreg [dreg:$0x0]  }
0x2: {  	s0 =	rddreg [dreg:$0x1]  }
0x3: {  	s2 =	rddreg [dreg:$0x2]  }
0x4: {  	s3 =	rddreg [dreg:$0x3];
	s4 =	simm.s32 $0x0;
	s5 =	srdreg.scid  }
0x5: {  	s25 =	stileid.u32;
	s22 =	simm.s32 $0x13880;
	s23 =	simm.s32 $0x13900  }
0x6: {  	s24 =	simm.s32 $0x50;
	s28 =	simm.s32 $0x16180;
	s29 =	simm.s32 $0x18980  }
0x7: {  	s30 =	simm.s32 $0x0;
	s21 =	simm.s32 $0x0;
	[smem:$0x7FF] =	sst s4  }
0x8: {  	s6 =	sadd.s32 $0x4ED600, s0;
	s7 =	sadd.s32 $0x4E3800, s0;
	s5 =	sand.u32 $0x1, s5  }
0x9: {  	s8 =	sadd.s32 $0x1800, s0;
	s11 =	smul.u32 $0x4E000, s25;
	s9 =	sadd.s32 $0x1A00, s0  }
0xa: {  	s0 =	sadd.s32 $0x2800, s0;
	s13 =	smul.u32 $0x2700, s25;
	s31 =	sshll.u32 s25, $0x6  }
0xb: {  	s20 =	sadd.s32 $0x138000, s3;
	p0 =	sne.s32 s25, $0xF;
	s14 =	smul.u32 $0x138800, s5  }
0xc: {  	_ =	strace $0x80000047;
	s10 =	ssub.s32 $0x2, s5;
	s17 =	smul.u32 $0x27100, s5  }
0xd: {  	s20 =	sshrl.u32 @!p0 s20, $0x3;
	s12 =	sshrl.u32 s10, $0x1;
	s26 =	sshrl.u32 s11, $0x2  }
0xe: {  	s15 =	ssub.s32 s10, s12;
	s12 =	smul.u32 $0x4E200, s5;
	s5 =	sshll.u32 s5, $0x6  }
0xf: {  	s11 =	sor.u32 $0x1C02, s31;
	s16 =	sadd.s32 s26, s3;
	s5 =	sor.u32 $0x13980, s5  }
0x10: {  	s10 =	smul.u32 $0x4E20, s25;
	s14 =	sshrl.u32 s14, $0x3;
	s13 =	sadd.s32 s13, s17;
	v0 =	vmov s5  }
0x11: {  	s17 =	simm.s32 $0x2;
	s25 =	simm.s32 $0x13980;
	s26 =	simm.s32 $0x1  }
0x12: {  	s18 =	sadd.s32 $0x6800, s16;
	s19 =	sadd.s32 $0xD000, s16;
	s14 =	sadd.s32 s0, s14  }
0x13: {  	s13 =	sadd.s32 s0, s13;
	s15 =	smax.u32 s15, $0x1;
	s16 =	sshrl.u32 s16, $0x3  }
0x14: {  	s14 =	sadd.s32 $0x27000, s14;
	s18 =	sshrl.u32 s18, $0x3;
	s19 =	sshrl.u32 s19, $0x3  }
.LBB2_1:
0x15: {  	[spmem:s16], [sflag:s11] =	dma.local [hbm:s9], $0xD00  }
0x16: {  	_ =	swait.ge [sflag:s17], $0xD00  }
0x17: {  	[sflag:s17] =	ssyncset.done $0x0  }
0x18: {  	[sflag:s17] =	ssyncadd.s32 $0xFFFFF300  }
0x19: {  	[spmem:s18], [sflag:s11] =	dma.local [hbm:s9], $0xD00  }
0x1a: {  	_ =	swait.ge [sflag:s17], $0xD00  }
0x1b: {  	[sflag:s17] =	ssyncset.done $0x0  }
0x1c: {  	[sflag:s17] =	ssyncadd.s32 $0xFFFFF300  }
0x1d: {  	[spmem:s19], [sflag:s11] =	dma.local [hbm:s9], $0xD00  }
0x1e: {  	_ =	swait.ge [sflag:s17], $0xD00  }
0x1f: {  	[sflag:s17] =	ssyncset.done $0x0  }
0x20: {  	s0 =	simm.s32 @!p0 $0x2;
	[sflag:s17] =	ssyncadd.s32 $0xFFFFF300  }
0x21: {  	[spmem:s20], [sflag:s11] =	dma.local @!p0 [hbm:s9], $0x100  }
0x22: {  	_ =	swait.ge @!p0 [sflag:s0], $0x100  }
0x23: {  	[sflag:s0] =	ssyncset.done @!p0 $0x0  }
0x24: {  	s5 =	simm.s32 $0x0;
	s4 =	simm.s32 $0x1B180;
	[sflag:s0] =	ssyncadd.s32 @!p0 $0xFFFFFF00  }
0x25: {  	[tilespmem:s4], [sflag:$0x2] =	stream.linear.gather [hbm4b:s8+s5], $0x80, $0x38;
	[tilespmem:$0x1B200] =	vst v63  }
0x26: {  	_ =	swait.ge [sflag:s17], $0x80  }
0x27: {  	[sflag:s17] =	ssyncset.done $0x0  }
0x28: {  	[sflag:s17] =	ssyncadd.s32 $0xFFFFFF80  }
0x29: {  	[bflag:$0x0] =	sbarrier.arrive $0xFFFF  }
0x2a: {  	s31 =	simm.s32 $0x0;
	v1 =	vld [tilespmem:$0x1B180]  }
.LBB2_2:
0x2b: {  	s0 =	smul.u32 $0x50, s31;
	_ =	sdelay $0x1  }
0x2c: {  	s0 =	sadd.s32 s10, s0  }
0x2d: {  	s5 =	sshrl.u32 s0, $0x3  }
0x2e: {  	s4 =	sadd.s32 s7, s5  }
0x2f: {  	[tilespmem:s22], [sflag:$0x2] =	stream.linear.gather [hbm4b:s4+s21], $0x50, $0x38;
	[tilespmem:$0x1B200] =	vst v63  }
0x30: {  	_ =	swait.ge [sflag:s17], $0x50  }
0x31: {  	[sflag:s17] =	ssyncset.done $0x0  }
0x32: {  	s5 =	sadd.s32 s2, s5;
	[sflag:s17] =	ssyncadd.s32 $0xFFFFFFB0  }
0x33: {  	[tilespmem:s23], [sflag:$0x2] =	stream.linear.gather [hbm4b:s5+s21], $0x50, $0x38;
	[tilespmem:$0x1B200] =	vst v63  }
0x34: {  	_ =	swait.ge [sflag:s17], $0x50  }
0x35: {  	[sflag:s17] =	ssyncset.done $0x0  }
0x36: {  	[sflag:s17] =	ssyncadd.s32 $0xFFFFFFB0  }
0x37: {  	[tilespmem:s25], [sflag:$0x1] =	stream.indirect.gather [hbm4b:s1+s24], $0x80, s22, s24, $0xb8;
	[tilespmem:$0x1B200] =	vst v63  }
0x38: {  	s0 =	sadd.s32 s12, s0;
	_ =	swait.ge [sflag:s26], $0x2800  }
0x39: {  	s0 =	sshll.u32 s0, $0x4;
	[sflag:s26] =	ssyncset.done $0x0  }
0x3a: {  	s0 =	sadd.s32 s6, s0;
	[sflag:s26] =	ssyncadd.s32 $0xFFFFD800  }
0x3b: {  	[tilespmem:s28], [sflag:$0x2] =	stream.linear.gather [hbm4b:s0+s21], $0x2800, $0x38;
	[tilespmem:$0x1B200] =	vst v63  }
0x3c: {  	_ =	swait.ge [sflag:s17], $0x2800  }
0x3d: {  	[sflag:s17] =	ssyncset.done $0x0  }
0x3e: {  	s5 =	simm.s32 $0x200;
	s0 =	simm.s32 $0x0;
	[sflag:s17] =	ssyncadd.s32 $0xFFFFD800  }
.LBB2_3:
0x3f: {  	p1 =	sne.s32 s5, $0x9E00;
	v2 =	vld.idx.msk [tilespmem:v0+s0+$0x0 ss:$0x1], $0xffff  }
0x40: {  	v3 =	vld [tilespmem:s0+$0x16180];
	_ =	sdelay $0x4  }
0x41: {  	v2 =	vadd.f32 v3, v2;
	_ =	sdelay $0x1  }
0x42: {  	v2 =	vmax.f32 v2, $0.0e+00  }
0x43: {  	v2 =	vadd.f32 $1.000000010e-07, v2;
	_ =	sdelay $0x1  }
0x44: {  	v3 =	vmul.f32 v2, v1;
	_ =	sdelay $0x1  }
0x45: {  	v3 =	vmul.f32 $1.442695020e+00, v3;
	_ =	sdelay $0x1  }
0x46: {  	(erf) = vpow2.f32 v3;
	_ =	sdelay $0x8  }
0x47: {  	v3 =	vpop (erf)  }
0x48: {  	[tilespmem:s0+$0x18980] =	vst v3;
	v2 =	vmul.f32 v3, v2;
	_ =	sdelay $0x1  }
0x49: {  	[tilespmem:s0+$0x189C0] =	vst v2  }
0x4a: {  	v2 =	vld.idx.msk [tilespmem:v0+s0+$0x10 ss:$0x1], $0xffff  }
0x4b: {  	v3 =	vld [tilespmem:s0+$0x16190];
	_ =	sdelay $0x4  }
0x4c: {  	v2 =	vadd.f32 v3, v2;
	_ =	sdelay $0x1  }
0x4d: {  	v2 =	vmax.f32 v2, $0.0e+00  }
0x4e: {  	v2 =	vadd.f32 $1.000000010e-07, v2;
	_ =	sdelay $0x1  }
0x4f: {  	v3 =	vmul.f32 v2, v1;
	_ =	sdelay $0x1  }
0x50: {  	v3 =	vmul.f32 $1.442695020e+00, v3;
	_ =	sdelay $0x1  }
0x51: {  	(erf) = vpow2.f32 v3;
	_ =	sdelay $0x8  }
0x52: {  	v3 =	vpop (erf)  }
0x53: {  	[tilespmem:s0+$0x18990] =	vst v3;
	v2 =	vmul.f32 v3, v2;
	_ =	sdelay $0x1  }
0x54: {  	[tilespmem:s0+$0x189D0] =	vst v2  }
0x55: {  	v2 =	vld.idx.msk [tilespmem:v0+s0+$0x20 ss:$0x1], $0xffff  }
0x56: {  	v3 =	vld [tilespmem:s0+$0x161A0];
	_ =	sdelay $0x4  }
0x57: {  	v2 =	vadd.f32 v3, v2;
	_ =	sdelay $0x1  }
0x58: {  	v2 =	vmax.f32 v2, $0.0e+00  }
0x59: {  	v2 =	vadd.f32 $1.000000010e-07, v2;
	_ =	sdelay $0x1  }
0x5a: {  	v3 =	vmul.f32 v2, v1;
	_ =	sdelay $0x1  }
0x5b: {  	v3 =	vmul.f32 $1.442695020e+00, v3;
	_ =	sdelay $0x1  }
0x5c: {  	(erf) = vpow2.f32 v3;
	_ =	sdelay $0x8  }
0x5d: {  	v3 =	vpop (erf)  }
0x5e: {  	[tilespmem:s0+$0x189A0] =	vst v3;
	v2 =	vmul.f32 v3, v2;
	_ =	sdelay $0x1  }
0x5f: {  	[tilespmem:s0+$0x189E0] =	vst v2  }
0x60: {  	v2 =	vld.idx.msk [tilespmem:v0+s0+$0x30 ss:$0x1], $0xffff  }
0x61: {  	v3 =	vld [tilespmem:s0+$0x161B0];
	_ =	sdelay $0x4  }
0x62: {  	v2 =	vadd.f32 v3, v2;
	_ =	sdelay $0x1  }
0x63: {  	v2 =	vmax.f32 v2, $0.0e+00  }
0x64: {  	v2 =	vadd.f32 $1.000000010e-07, v2;
	_ =	sdelay $0x1  }
0x65: {  	v3 =	vmul.f32 v2, v1;
	_ =	sdelay $0x1  }
0x66: {  	v3 =	vmul.f32 $1.442695020e+00, v3;
	_ =	sdelay $0x1  }
0x67: {  	(erf) = vpow2.f32 v3;
	_ =	sdelay $0x7  }
.Ltmp0:
0x68: {  	(pc) =	sbr.rel @p1 .LBB2_3-.Ltmp0, $3  }
0x69: {  	v3 =	vpop (erf)  }
0x6a: {  	[tilespmem:s0+$0x189B0] =	vst v3;
	v2 =	vmul.f32 v3, v2;
	_ =	sdelay $0x1  }
0x6b: {  	[tilespmem:s0+$0x189F0] =	vst v2;
	s0 =	sshra.s32 s5, $0x2;
	s5 =	sadd.s32 $0x200, s5  }
0x6c: {  	_ =	sdelay $0x3  }
0x6d: {  	v2 =	vld.idx.msk [tilespmem:v0+s0+$0x0 ss:$0x1], $0xffff  }
0x6e: {  	v3 =	vld [tilespmem:s0+$0x16180];
	_ =	sdelay $0x4  }
0x6f: {  	v2 =	vadd.f32 v3, v2;
	_ =	sdelay $0x1  }
0x70: {  	v2 =	vmax.f32 v2, $0.0e+00  }
0x71: {  	v2 =	vadd.f32 $1.000000010e-07, v2;
	_ =	sdelay $0x1  }
0x72: {  	v3 =	vmul.f32 v2, v1;
	_ =	sdelay $0x1  }
0x73: {  	v3 =	vmul.f32 $1.442695020e+00, v3;
	_ =	sdelay $0x1  }
0x74: {  	(erf) = vpow2.f32 v3;
	_ =	sdelay $0x8  }
0x75: {  	v3 =	vpop (erf)  }
0x76: {  	v2 =	vmul.f32 v3, v2  }
0x77: {  	[tilespmem:s0+$0x18980] =	vst v3  }
0x78: {  	v3 =	vld [tilespmem:s0+$0x16190];
	[tilespmem:s0+$0x189C0] =	vst v2  }
0x79: {  	v2 =	vld.idx.msk [tilespmem:v0+s0+$0x10 ss:$0x1], $0xffff;
	_ =	sdelay $0x4  }
0x7a: {  	v2 =	vadd.f32 v3, v2;
	_ =	sdelay $0x1  }
0x7b: {  	v2 =	vmax.f32 v2, $0.0e+00  }
0x7c: {  	v2 =	vadd.f32 $1.000000010e-07, v2;
	_ =	sdelay $0x1  }
0x7d: {  	v3 =	vmul.f32 v2, v1;
	_ =	sdelay $0x1  }
0x7e: {  	v3 =	vmul.f32 $1.442695020e+00, v3;
	_ =	sdelay $0x1  }
0x7f: {  	(erf) = vpow2.f32 v3;
	_ =	sdelay $0x8  }
0x80: {  	v3 =	vpop (erf)  }
0x81: {  	v2 =	vmul.f32 v3, v2  }
0x82: {  	[tilespmem:s0+$0x18990] =	vst v3  }
0x83: {  	v3 =	vld [tilespmem:s0+$0x161A0];
	[tilespmem:s0+$0x189D0] =	vst v2  }
0x84: {  	v2 =	vld.idx.msk [tilespmem:v0+s0+$0x20 ss:$0x1], $0xffff;
	_ =	sdelay $0x4  }
0x85: {  	v2 =	vadd.f32 v3, v2;
	_ =	sdelay $0x1  }
0x86: {  	v2 =	vmax.f32 v2, $0.0e+00  }
0x87: {  	v2 =	vadd.f32 $1.000000010e-07, v2;
	_ =	sdelay $0x1  }
0x88: {  	v3 =	vmul.f32 v2, v1;
	_ =	sdelay $0x1  }
0x89: {  	v3 =	vmul.f32 $1.442695020e+00, v3;
	_ =	sdelay $0x1  }
0x8a: {  	(erf) = vpow2.f32 v3;
	_ =	sdelay $0x8  }
0x8b: {  	v3 =	vpop (erf)  }
0x8c: {  	v2 =	vmul.f32 v3, v2  }
0x8d: {  	[tilespmem:s0+$0x189A0] =	vst v3  }
0x8e: {  	v3 =	vld [tilespmem:s0+$0x161B0];
	[tilespmem:s0+$0x189E0] =	vst v2  }
0x8f: {  	v2 =	vld.idx.msk [tilespmem:v0+s0+$0x30 ss:$0x1], $0xffff;
	_ =	sdelay $0x4  }
0x90: {  	v2 =	vadd.f32 v3, v2;
	_ =	sdelay $0x1  }
0x91: {  	v2 =	vmax.f32 v2, $0.0e+00  }
0x92: {  	v2 =	vadd.f32 $1.000000010e-07, v2;
	_ =	sdelay $0x1  }
0x93: {  	v3 =	vmul.f32 v2, v1;
	_ =	sdelay $0x1  }
0x94: {  	v3 =	vmul.f32 $1.442695020e+00, v3;
	_ =	sdelay $0x1  }
0x95: {  	(erf) = vpow2.f32 v3;
	_ =	sdelay $0x8  }
0x96: {  	v3 =	vpop (erf)  }
0x97: {  	s31 =	sadd.s32 $0x1, s31;
	v2 =	vmul.f32 v3, v2  }
0x98: {  	p1 =	sne.s32 s31, $0xFA;
	[tilespmem:s0+$0x189B0] =	vst v3  }
.Ltmp1:
0x99: {  	[tilespmem:s0+$0x189F0] =	vst v2;
	(pc) =	sbr.rel @p1 .LBB2_2-.Ltmp1, $4  }
0x9a: {  	[spmem:s3] =	stream.indirect.scatter.add.f32 [tilespmem:s29], [sflag:$0x2], $0x80, s23, s24, $0xb8;
	[tilespmem:$0x1B200] =	vst v63  }
0x9b: {  	_ =	swait.ge [sflag:s17], $0x2800  }
0x9c: {  	[sflag:s17] =	ssyncset.done $0x0  }
0x9d: {  	[sflag:s17] =	ssyncadd.s32 $0xFFFFD800  }
0x9e: {  	[bflag:$0x0] =	sbarrier.arrive $0xFFFF  }
0x9f: {  	[hbm:s13], [sflag:s11] =	dma.local [spmem:s16], $0x2700  }
0xa0: {  	s30 =	sadd.s32 $0x1, s30;
	_ =	swait.ge [sflag:s17], $0x2700  }
0xa1: {  	p1 =	sne.s32 s30, s15;
	[sflag:s17] =	ssyncset.done $0x0  }
.Ltmp2:
0xa2: {  	s0 =	simm.s32 @!p0 $0x2;
	[sflag:s17] =	ssyncadd.s32 $0xFFFFD900;
	(pc) =	sbr.rel @p1 .LBB2_1-.Ltmp2, $4  }
0xa3: {  	[hbm:s14], [sflag:s11] =	dma.local @!p0 [spmem:s20], $0x100  }
0xa4: {  	_ =	swait.ge @!p0 [sflag:s0], $0x100  }
0xa5: {  	[sflag:s0] =	ssyncset.done @!p0 $0x0  }
0xa6: {  	[sflag:s0] =	ssyncadd.s32 @!p0 $0xFFFFFF00  }
0xa7: {  	_ =	sfence.sel $0x180000  }
0xa8: {  	[bflag:$0x0] =	sbarrier.arrive $0xFFFF  }
0xa9: {  	_ =	strace $0x90000047  }
0xaa: {  	s0 =	stileid.u32;
	[bflag:$0x2] =	sbarrier.arrive $0xFFFF  }
0xab: {  	p0 =	sne.s32 s0, $0x0;
	s0 =	rddreg [dreg:$0x4]  }
0xac: {  	s0 =	sadd.s32 @!p0 $0x100000, s0  }
0xad: {  	[sflag:s0] =	ssyncadd.tile.s32 @!p0 $0x1;
	_ =	shalt  }
.Lfunc_end2:
_tile_overlayer_lowered:
.L_overlay_start_2:
0xae: {  	(tag) =	ssettag $0x2  }
0xaf: {  	s0 =	rddreg [dreg:$0x0];
	s2 =	stileid.u32  }
0xb0: {  	s1 =	rddreg [dreg:$0x1];
	p0 =	sne.s32 s2, $0x0  }
0xb1: {  	s3 =	rddreg [dreg:$0x2];
	[bflag:$0x3] =	sbarrier.arrive $0xFFFF;
	s2 =	simm.s32 @!p0 $0x1C02  }
0xb2: {  	[timem:s3], [sflag:s2] =	dma.local @!p0 [hbm:s0], s1  }
0xb3: {  	s0 =	simm.s32 @!p0 $0x2  }
0xb4: {  	_ =	swait.ge @!p0 [sflag:s0], s1  }
0xb5: {  	s1 =	ssub.s32 @!p0 $0x0, s1;
	[sflag:s0] =	ssyncset.done @!p0 $0x0  }
0xb6: {  	[sflag:s0] =	ssyncadd.s32 @!p0 s1  }
0xb7: {  	[bflag:$0x3] =	sbarrier.arrive $0xFFFF  }
0xb8: {  	_ =	shalt  }

</sc_bundles>
